<compile_context>
chip_gen: v7x
topology: tpu7x:2x2x1
jax: 0.10.2.dev20260603
libtpu: 0.0.44.dev20260713+nightly
codegen_flags: <defaults>
</compile_context>

<pallas_src>
import functools

import jax
import jax.numpy as jnp
from jax import lax
from jax.experimental import pallas as pl
from jax.experimental.pallas import tpu as pltpu
from jax.experimental.pallas import tpu_sc as plsc

N_NODES = 10000
N_EDGES = 320000
D_NODE = 142
D_HID = 128
NUM_GRAPHS = 25
NUM_ENC = 10

NC = 2
NS = 16
NW = NC * NS
EPW = N_EDGES // NW
K = 40
NB = EPW // K
RSTRIPE = 640
RCHUNK = 40


def _p_body(atom_ref, w_ref, o_ref):
    o_ref[...] = jnp.dot(atom_ref[...], w_ref[...],
                         preferred_element_type=jnp.float32)


def _compute_p(atom_feature, w_top):
    return pl.pallas_call(
        _p_body,
        out_shape=jax.ShapeDtypeStruct((N_NODES, D_HID), jnp.float32),
    )(atom_feature, w_top)


_EB = 1600
_NQB = N_EDGES // _EB

_INV2PI = float(1.0 / (2.0 * 3.14159265358979323846))
_TWOPI = float(2.0 * 3.14159265358979323846)


def _q_body(dist_ref, sc32_ref, bond_ref, wb_ref, w32_ref, bias_ref, o_ref):
    x = dist_ref[...] * sc32_ref[...]
    y = x - jnp.round(x * _INV2PI) * _TWOPI
    h = y * 0.5
    h2 = h * h
    sh = h * (1.0 + h2 * (-1.0 / 6.0 + h2 * (1.0 / 120.0 + h2 * (
        -1.0 / 5040.0 + h2 * (1.0 / 362880.0 + h2 * (-1.0 / 39916800.0))))))
    ch = 1.0 + h2 * (-0.5 + h2 * (1.0 / 24.0 + h2 * (-1.0 / 720.0 + h2 * (
        1.0 / 40320.0 + h2 * (-1.0 / 3628800.0 + h2 * (1.0 / 479001600.0))))))
    sy = 2.0 * sh * ch
    cy = 1.0 - 2.0 * sh * sh
    lane = lax.broadcasted_iota(jnp.int32, (_EB, 32), 1)
    trig = jnp.where(lane < 10, sy, cy)
    acc = jnp.dot(trig, w32_ref[...], preferred_element_type=jnp.float32)
    acc = acc + jnp.dot(bond_ref[...], wb_ref[...],
                        preferred_element_type=jnp.float32)
    o_ref[...] = acc + bias_ref[...]


def _compute_q(dist_col, scale32, bond, w_bond, w32, bias_row):
    return pl.pallas_call(
        _q_body,
        grid=(_NQB,),
        in_specs=[
            pl.BlockSpec((_EB, 1), lambda i: (i, 0)),
            pl.BlockSpec((1, 32), lambda i: (0, 0)),
            pl.BlockSpec((_EB, 5), lambda i: (i, 0)),
            pl.BlockSpec((5, D_HID), lambda i: (0, 0)),
            pl.BlockSpec((32, D_HID), lambda i: (0, 0)),
            pl.BlockSpec((1, D_HID), lambda i: (0, 0)),
        ],
        out_specs=pl.BlockSpec((_EB, D_HID), lambda i: (i, 0)),
        out_shape=jax.ShapeDtypeStruct((N_EDGES, D_HID), jnp.float32),
    )(dist_col, scale32, bond, w_bond, w32, bias_row)


DEPTH = 3


def _sc_agg_body(p_hbm, q_hbm, src_hbm, dst_hbm, out_hbm,
                 src_v, dring, qb, rows, sem_q, sem_g, sem_d, sem_sc, agg_sh):
    c = lax.axis_index("c")
    s = lax.axis_index("s")
    wid = c * NS + s
    base_r = s * RSTRIPE
    n_chunks = jnp.where(s == NS - 1, 10, 16)
    ebase = wid * EPW

    pltpu.sync_copy(src_hbm.at[pl.ds(ebase, EPW)], src_v)

    def _zero(j, _):
        rows[0][j // 8, pl.ds((j % 8) * 16, 16)] = jnp.zeros((16,), jnp.float32)
        return 0
    lax.fori_loop(0, RCHUNK * 8, _zero, 0)

    def _zinit(i, _):
        pltpu.sync_copy(rows[0], agg_sh.at[pl.ds(base_r + i * RCHUNK, RCHUNK)])
        return 0
    lax.fori_loop(0, n_chunks, _zinit, 0)
    plsc.subcore_barrier()

    def _q_desc(b, slot):
        return pltpu.make_async_copy(
            q_hbm.at[pl.ds(ebase + b * K, K)], qb[slot], sem_q[slot])

    def _g_desc(b, slot):
        return pltpu.make_async_copy(
            p_hbm.at[src_v.at[pl.ds(b * K, K)]], rows[slot], sem_g[slot])

    def _d_desc(b, slot):
        return pltpu.make_async_copy(
            dst_hbm.at[pl.ds(ebase + b * K, K)], dring[slot], sem_d[slot])

    def _sc_desc(b, slot):
        return pltpu.make_async_copy(rows[slot], agg_sh.at[dring[slot]],
                                     sem_sc[slot])

    def _compute(b, j):
        def _relu_row(e, _):
            for kk in range(D_HID // 16):
                sl = pl.ds(kk * 16, 16)
                rows[j][e, sl] = jnp.maximum(rows[j][e, sl] + qb[j][e, sl], 0.0)
            return 0
        lax.fori_loop(0, K, _relu_row, 0)

    _q_desc(0, 0).start()
    _g_desc(0, 0).start()
    _d_desc(0, 0).start()

    def _outer(o, _):
        for j in range(DEPTH):
            b = o * DEPTH + j

            @pl.when(b >= 2)
            def _():
                _sc_desc(b - 2, (j + 1) % DEPTH).wait()

            _q_desc(b + 1, (j + 1) % DEPTH).start()
            _g_desc(b + 1, (j + 1) % DEPTH).start()
            _d_desc(b + 1, (j + 1) % DEPTH).start()

            _q_desc(b, j).wait()
            _g_desc(b, j).wait()
            _compute(b, j)
            _d_desc(b, j).wait()
            _sc_desc(b, j).start(add=True)
        return 0
    lax.fori_loop(0, (NB - 1) // DEPTH, _outer, 0)

    bl = NB - 1
    jl = bl % DEPTH
    _sc_desc(bl - 2, (jl + 1) % DEPTH).wait()
    _q_desc(bl, jl).wait()
    _g_desc(bl, jl).wait()
    _compute(bl, jl)
    _d_desc(bl, jl).wait()
    _sc_desc(bl, jl).start(add=True)
    _sc_desc(bl - 1, (bl - 1) % DEPTH).wait()
    _sc_desc(bl, jl).wait()
    plsc.subcore_barrier()

    def _out(i, _):
        r0 = base_r + i * RCHUNK
        pltpu.sync_copy(agg_sh.at[pl.ds(r0, RCHUNK)], rows[0])
        pltpu.sync_copy(rows[0], out_hbm.at[c, pl.ds(r0, RCHUNK)])
        return 0
    lax.fori_loop(0, n_chunks, _out, 0)


@functools.cache
def _get_sc_agg():
  return functools.partial(
    pl.kernel,
    out_type=jax.ShapeDtypeStruct((NC, N_NODES, D_HID), jnp.float32),
    mesh=plsc.VectorSubcoreMesh(core_axis_name="c", subcore_axis_name="s",
                                num_cores=NC, num_subcores=NS),
    scratch_types=[
        pltpu.VMEM((EPW,), jnp.int32),
        [pltpu.VMEM((K,), jnp.int32)] * DEPTH,
        [pltpu.VMEM((K, D_HID), jnp.float32)] * DEPTH,
        [pltpu.VMEM((K, D_HID), jnp.float32)] * DEPTH,
        [pltpu.SemaphoreType.DMA] * DEPTH,
        [pltpu.SemaphoreType.DMA] * DEPTH,
        [pltpu.SemaphoreType.DMA] * DEPTH,
        [pltpu.SemaphoreType.DMA] * DEPTH,
        pltpu.VMEM_SHARED((N_NODES, D_HID), jnp.float32),
    ],
  )(_sc_agg_body)


def _final_body(atom_ref, agg_ref, n2g_ref, wnt_ref, wnb_ref, bn_ref,
                wo_ref, bo_ref, o_ref):
    agg = agg_ref[0] + agg_ref[1]
    h = jnp.dot(atom_ref[...], wnt_ref[...], preferred_element_type=jnp.float32)
    h = h + jnp.dot(agg, wnb_ref[...], preferred_element_type=jnp.float32)
    h = jnp.maximum(h + bn_ref[...], 0.0)
    gids = lax.broadcasted_iota(jnp.int32, (N_NODES, D_HID), 1)
    mask = (n2g_ref[...] == gids).astype(jnp.float32)
    dn = (((0,), (0,)), ((), ()))
    gsum = lax.dot_general(mask, h, dn, preferred_element_type=jnp.float32)
    ones = jnp.ones((N_NODES, 1), jnp.float32)
    gcnt = lax.dot_general(mask, ones, dn, preferred_element_type=jnp.float32)
    gmean = gsum / jnp.maximum(gcnt, 1.0)
    h = h + jnp.dot(mask, gmean, preferred_element_type=jnp.float32)
    logits = jnp.dot(h, wo_ref[...], preferred_element_type=jnp.float32) + bo_ref[...]
    o_ref[...] = 1.0 / (1.0 + jnp.exp(-logits))


def _compute_out(atom_feature, agg2, n2g_col, wn_top, wn_bot, bn_row, w_out, bo_row):
    return pl.pallas_call(
        _final_body,
        out_shape=jax.ShapeDtypeStruct((N_NODES, 1), jnp.float32),
    )(atom_feature, agg2, n2g_col, wn_top, wn_bot, bn_row, w_out, bo_row)


def kernel(atom_feature, edge_index, bond_feature, distance, b_factor, node2graph,
           W_msg, b_msg, W_node, b_node, W_out, b_out):
    w_atom = W_msg[:D_NODE]
    w_bond = W_msg[D_NODE:D_NODE + 5]
    w_sin = W_msg[D_NODE + 5:D_NODE + 5 + NUM_ENC]
    w_cos = W_msg[D_NODE + 5 + NUM_ENC:]
    k32 = jnp.arange(32)
    scale32 = jnp.where(k32 < 10, 2.0 ** (-k32.astype(jnp.float32)),
                        jnp.where(k32 < 20,
                                  2.0 ** (-(k32 - 10).astype(jnp.float32)),
                                  0.0)).reshape(1, 32)
    w32 = jnp.pad(jnp.concatenate([w_sin, w_cos], axis=0),
                  ((0, 12), (0, 0)))

    p = _compute_p(atom_feature, w_atom)
    q = _compute_q(distance[:, None], scale32, bond_feature,
                   w_bond, w32, b_msg[None, :])
    agg2 = _get_sc_agg()(p, q, edge_index[0], edge_index[1])
    out2 = _compute_out(atom_feature, agg2, node2graph[:, None],
                        W_node[:D_NODE], W_node[D_NODE:], b_node[None, :],
                        W_out, b_out[None, :])
    return (out2[:, 0], b_factor)

# --- scband reference (transcript-rebuilt; emitter-appended) ---
"""Pipeline reference for scband-scoring-model-30288109371588 (READ-ONLY COPY).

The authoritative reference and input builder live on the scoring server;
editing this copy changes nothing except your own understanding.
"""

import jax, jax.numpy as jnp
import numpy as np

N_NODES = 10000
N_EDGES = 320000
D_NODE = 142
D_EDGE_RAW = 5
D_EDGE = 25
D_HID = 128
NUM_GRAPHS = 25
NUM_ENC = 10


def fourier_encode_dist(x, num_encodings=NUM_ENC):
    # matches fourier_encode_dist(..., include_self=False): [E] -> [E, 2*num_encodings]
    scales = 2.0 ** jnp.arange(num_encodings, dtype=jnp.float32)
    x = x[..., None] / scales
    return jnp.concatenate([jnp.sin(x), jnp.cos(x)], axis=-1)


def setup_inputs(seed: int = 0) -> dict:
    key = jax.random.key(seed)
    ks = jax.random.split(key, 12)
    atom_feature = jax.random.uniform(ks[0], (N_NODES, D_NODE), dtype=jnp.float32)
    edge_index = jax.random.randint(ks[1], (2, N_EDGES), 0, N_NODES, dtype=jnp.int64 if jax.config.jax_enable_x64 else jnp.int32).astype(jnp.int32)
    bond_feature = jax.random.uniform(ks[2], (N_EDGES, D_EDGE_RAW), dtype=jnp.float32)
    distance = jax.random.uniform(ks[3], (N_EDGES,), dtype=jnp.float32) * 10.0
    b_factor = jax.random.uniform(ks[4], (N_NODES,), dtype=jnp.float32)
    node2graph = jnp.sort(jax.random.randint(ks[5], (N_NODES,), 0, NUM_GRAPHS)).astype(jnp.int32)
    # learned params of GraphEmbeddingModel(142, 25, 0, 128, 0) + output Linear(128, 1)
    W_msg = jax.random.normal(ks[6], (D_NODE + D_EDGE, D_HID), dtype=jnp.float32) * 0.05
    b_msg = jnp.zeros((D_HID,), dtype=jnp.float32)
    W_node = jax.random.normal(ks[7], (D_NODE + D_HID, D_HID), dtype=jnp.float32) * 0.05
    b_node = jnp.zeros((D_HID,), dtype=jnp.float32)
    W_out = jax.random.normal(ks[8], (D_HID, 1), dtype=jnp.float32) * 0.05
    b_out = jnp.zeros((1,), dtype=jnp.float32)
    return {
        "atom_feature": atom_feature,
        "edge_index": edge_index,
        "bond_feature": bond_feature,
        "distance": distance,
        "b_factor": b_factor,
        "node2graph": node2graph,
        "W_msg": W_msg, "b_msg": b_msg,
        "W_node": W_node, "b_node": b_node,
        "W_out": W_out, "b_out": b_out,
    }


def reference(atom_feature, edge_index, bond_feature, distance, b_factor, node2graph,
              W_msg, b_msg, W_node, b_node, W_out, b_out):
    # edge features: raw bond features concat fourier-encoded distance -> [E, 25]
    dist_enc = fourier_encode_dist(distance)
    edge_feat = jnp.concatenate([bond_feature, dist_enc], axis=-1)
    src = edge_index[0]
    dst = edge_index[1]
    # message passing: gather src node features, build messages
    x_src = jnp.take(atom_feature, src, axis=0)            # gather [E, 142]
    msg_in = jnp.concatenate([x_src, edge_feat], axis=-1)   # [E, 167]
    msg = jax.nn.relu(msg_in @ W_msg + b_msg)               # [E, 128]
    agg = jax.ops.segment_sum(msg, dst, num_segments=N_NODES)  # scatter-add [N, 128]
    h = jax.nn.relu(jnp.concatenate([atom_feature, agg], axis=-1) @ W_node + b_node)  # [N, 128]
    # graph-level context (uses node2graph like the original embedding model)
    g_sum = jax.ops.segment_sum(h, node2graph, num_segments=NUM_GRAPHS)
    g_cnt = jax.ops.segment_sum(jnp.ones((N_NODES, 1), dtype=h.dtype), node2graph, num_segments=NUM_GRAPHS)
    g_mean = g_sum / jnp.maximum(g_cnt, 1.0)
    h = h + jnp.take(g_mean, node2graph, axis=0)
    # output head: Linear(128,1) + Sigmoid, squeeze
    out = jax.nn.sigmoid(h @ W_out + b_out).squeeze(-1)     # [N]
    labels = b_factor                                        # passthrough labels
    return (out, labels)

if __name__ == "__main__":
    import jax
    _d = setup_inputs()
    print(jax.jit(kernel)(*tuple(_d.values())))

</pallas_src>

<mosaic_0001>
#map = affine_map<(d0, d1) -> (0, 0)>
#map1 = affine_map<(d0, d1) -> (0)>
#map2 = affine_map<(d0, d1) -> (0, 0, 0)>
module attributes {stable_mosaic.version = 14 : i64} {
  func.func @_sc_agg_body(%arg0: i32, %arg1: i32, %arg2: memref<10000x128xf32, #tpu.memory_space<hbm>>, %arg3: memref<320000x128xf32, #tpu.memory_space<hbm>>, %arg4: memref<320000xi32, #tpu.memory_space<hbm>>, %arg5: memref<320000xi32, #tpu.memory_space<hbm>>, %arg6: memref<2x10000x128xf32, #tpu.memory_space<hbm>>, %arg7: memref<10000xi32, #tpu.memory_space<vmem>>, %arg8: memref<40xi32, #tpu.memory_space<vmem>>, %arg9: memref<40xi32, #tpu.memory_space<vmem>>, %arg10: memref<40xi32, #tpu.memory_space<vmem>>, %arg11: memref<40x128xf32, #tpu.memory_space<vmem>>, %arg12: memref<40x128xf32, #tpu.memory_space<vmem>>, %arg13: memref<40x128xf32, #tpu.memory_space<vmem>>, %arg14: memref<40x128xf32, #tpu.memory_space<vmem>>, %arg15: memref<40x128xf32, #tpu.memory_space<vmem>>, %arg16: memref<40x128xf32, #tpu.memory_space<vmem>>, %arg17: memref<!tpu.dma_semaphore, #tpu.memory_space<semaphore_mem>>, %arg18: memref<!tpu.dma_semaphore, #tpu.memory_space<semaphore_mem>>, %arg19: memref<!tpu.dma_semaphore, #tpu.memory_space<semaphore_mem>>, %arg20: memref<!tpu.dma_semaphore, #tpu.memory_space<semaphore_mem>>, %arg21: memref<!tpu.dma_semaphore, #tpu.memory_space<semaphore_mem>>, %arg22: memref<!tpu.dma_semaphore, #tpu.memory_space<semaphore_mem>>, %arg23: memref<!tpu.dma_semaphore, #tpu.memory_space<semaphore_mem>>, %arg24: memref<!tpu.dma_semaphore, #tpu.memory_space<semaphore_mem>>, %arg25: memref<!tpu.dma_semaphore, #tpu.memory_space<semaphore_mem>>, %arg26: memref<!tpu.dma_semaphore, #tpu.memory_space<semaphore_mem>>, %arg27: memref<!tpu.dma_semaphore, #tpu.memory_space<semaphore_mem>>, %arg28: memref<!tpu.dma_semaphore, #tpu.memory_space<semaphore_mem>>, %arg29: memref<10000x128xf32, #tpu.memory_space<vmem_shared>>) attributes {dimension_semantics = [#tpu.dimension_semantics<core_parallel>, #tpu.dimension_semantics<subcore_parallel>], iteration_bounds = array<i64: 2, 16>, scalar_prefetch = 0 : i64, scratch_operands = 23 : i64, tpu.core_type = #tpu.core_type<sc_vector_subcore>, window_params = [{transform_indices = #map}, {transform_indices = #map}, {transform_indices = #map1}, {transform_indices = #map1}, {transform_indices = #map2}]} {
    %mul3A = arith.constant 16 : i32
    %mul3A_0 = arith.muli %arg0, %mul3A : i32
    %add3A = arith.addi %mul3A_0, %arg1 : i32
    %mul3A_1 = arith.constant 640 : i32
    %mul3A_2 = arith.muli %arg1, %mul3A_1 : i32
    %eq3A = arith.constant 15 : i32
    %eq3A_3 = arith.cmpi eq, %arg1, %eq3A : i32
    %jit3A = arith.constant 10 : i32
    %jit3A_4 = arith.constant 16 : i32
    %select_n3A = arith.select %eq3A_3, %jit3A, %jit3A_4 : i32
    %mul3A_5 = arith.constant 10000 : i32
    %mul3A_6 = arith.muli %add3A, %mul3A_5 : i32
    "tpu.region"() ({
      %run_scoped3A = tpu.sem_alloc : memref<!tpu.dma_semaphore, #tpu.memory_space<semaphore_mem>>
      %dma_start3A_91 = tpu.memref_slice %arg4[%mul3A_6] : memref<320000xi32, #tpu.memory_space<hbm>> -> memref<10000xi32, #tpu.memory_space<hbm>>
      %dma_start3A_92 = tpu.memref_slice %arg4[%mul3A_6] : memref<320000xi32, #tpu.memory_space<hbm>> -> memref<10000xi32, #tpu.memory_space<hbm>>
      tpu.enqueue_dma source(%dma_start3A_92 : memref<10000xi32, #tpu.memory_space<hbm>>) target(%arg7 : memref<10000xi32, #tpu.memory_space<vmem>>) target_semaphore(%run_scoped3A : memref<!tpu.dma_semaphore, #tpu.memory_space<semaphore_mem>>)
      %dma_wait3A_93 = tpu.memref_slice %arg4[%mul3A_6] : memref<320000xi32, #tpu.memory_space<hbm>> -> memref<10000xi32, #tpu.memory_space<hbm>>
      %dma_wait3A_94 = tpu.memref_slice %arg4[%mul3A_6] : memref<320000xi32, #tpu.memory_space<hbm>> -> memref<10000xi32, #tpu.memory_space<hbm>>
      tpu.wait_dma2 semaphore(%run_scoped3A : memref<!tpu.dma_semaphore, #tpu.memory_space<semaphore_mem>>) src(%dma_wait3A_94 : memref<10000xi32, #tpu.memory_space<hbm>>) dst(%arg7 : memref<10000xi32, #tpu.memory_space<vmem>>)
      tpu.yield
    }) : () -> ()
    %scan3A = arith.constant 0 : i32
    %scan3A_7 = arith.constant 0 : i32
    %scan3A_8 = arith.constant 320 : i32
    %scan3A_9 = arith.addi %scan3A_7, %scan3A_8 : i32
    %scan3A_10 = arith.constant 1 : i32
    %scan3A_11 = scf.for %scan3A_91 = %scan3A_7 to %scan3A_9 step %scan3A_10 iter_args(%scan3A_92 = %scan3A) -> (i32)  : i32 {
      %broadcast_in_dim3A = arith.constant 0.000000e+00 : f32
      %broadcast_in_dim3A_93 = vector.broadcast %broadcast_in_dim3A : f32 to vector<16xf32>
      %jit3A_94 = arith.constant 8 : i32
      %div3A = arith.divsi %scan3A_91, %jit3A_94 : i32
      %sign3A = arith.constant 0 : i32
      %sign3A_95 = arith.cmpi sgt, %scan3A_91, %sign3A : i32
      %sign3A_96 = arith.extui %sign3A_95 : i1 to i32
      %sign3A_97 = arith.constant 0 : i32
      %sign3A_98 = arith.cmpi slt, %scan3A_91, %sign3A_97 : i32
      %sign3A_99 = arith.extui %sign3A_98 : i1 to i32
      %sign3A_100 = arith.subi %sign3A_96, %sign3A_99 : i32
      %sign3A_101 = arith.constant 0 : i32
      %sign3A_102 = arith.cmpi sgt, %jit3A_94, %sign3A_101 : i32
      %sign3A_103 = arith.extui %sign3A_102 : i1 to i32
      %sign3A_104 = arith.constant 0 : i32
      %sign3A_105 = arith.cmpi slt, %jit3A_94, %sign3A_104 : i32
      %sign3A_106 = arith.extui %sign3A_105 : i1 to i32
      %sign3A_107 = arith.subi %sign3A_103, %sign3A_106 : i32
      %ne3A = arith.cmpi ne, %sign3A_100, %sign3A_107 : i32
      %rem3A = arith.remsi %scan3A_91, %jit3A_94 : i32
      %ne3A_108 = arith.constant 0 : i32
      %ne3A_109 = arith.cmpi ne, %rem3A, %ne3A_108 : i32
      %and3A = arith.andi %ne3A, %ne3A_109 : i1
      %sub3A = arith.constant 1 : i32
      %sub3A_110 = arith.subi %div3A, %sub3A : i32
      %select_n3A_111 = arith.select %and3A, %sub3A_110, %div3A : i32
      %jit3A_112 = arith.constant 8 : i32
      %eq3A_113 = arith.constant 0 : i32
      %eq3A_114 = arith.cmpi eq, %jit3A_112, %eq3A_113 : i32
      %jit3A_115 = arith.constant 1 : i32
      %select_n3A_116 = arith.select %eq3A_114, %jit3A_115, %jit3A_112 : i32
      %rem3A_117 = arith.remsi %scan3A_91, %select_n3A_116 : i32
      %ne3A_118 = arith.constant 0 : i32
      %ne3A_119 = arith.cmpi ne, %rem3A_117, %ne3A_118 : i32
      %lt3A = arith.constant 0 : i32
      %lt3A_120 = arith.cmpi slt, %rem3A_117, %lt3A : i32
      %lt3A_121 = arith.constant 0 : i32
      %lt3A_122 = arith.cmpi slt, %select_n3A_116, %lt3A_121 : i32
      %ne3A_123 = arith.xori %lt3A_120, %lt3A_122 : i1
      %and3A_124 = arith.andi %ne3A_123, %ne3A_119 : i1
      %add3A_125 = arith.addi %rem3A_117, %select_n3A_116 : i32
      %select_n3A_126 = arith.select %and3A_124, %add3A_125, %rem3A_117 : i32
      %mul3A_127 = arith.constant 16 : i32
      %mul3A_128 = arith.muli %select_n3A_126, %mul3A_127 : i32
      %swap3A = arith.index_cast %select_n3A_111 : i32 to index
      %swap3A_129 = arith.index_cast %mul3A_128 : i32 to index
      %swap3A_130 = tpu.vector_load %arg14[%swap3A, %swap3A_129] {strides = array<i32>} : memref<40x128xf32, #tpu.memory_space<vmem>>, vector<1x16xf32>,
      %swap3A_131 = vector.shape_cast %swap3A_130 : vector<1x16xf32> to vector<16xf32>
      %swap3A_132 = vector.shape_cast %broadcast_in_dim3A_93 : vector<16xf32> to vector<1x16xf32>
      tpu.vector_store %arg14[%swap3A, %swap3A_129], %swap3A_132 {strides = array<i32>} : memref<40x128xf32, #tpu.memory_space<vmem>>, vector<1x16xf32>,
      %scan3A_133 = arith.constant 0 : i32
      scf.yield %scan3A_133 : i32
    }
    %scan3A_12 = arith.constant 320 : i32
    %while3A = arith.constant 0 : i32
    %while3A_13 = arith.constant 0 : i32
    %while3A_14 = arith.subi %select_n3A, %while3A : i32
    %while3A_15 = arith.addi %while3A, %while3A_14 : i32
    %while3A_16 = arith.constant 1 : i32
    %while3A_17 = arith.divsi %while3A_14, %while3A_16 : i32
    %while3A_18 = arith.muli %while3A_17, %while3A_16 : i32
    %while3A_19 = arith.addi %while3A, %while3A_18 : i32
    %while3A_20 = arith.constant 1 : i32
    %while3A_21 = scf.for %while3A_91 = %while3A to %while3A_19 step %while3A_20 iter_args(%while3A_92 = %while3A_13) -> (i32)  : i32 {
      %mul3A_93 = arith.constant 40 : i32
      %mul3A_94 = arith.muli %while3A_91, %mul3A_93 : i32
      %add3A_95 = arith.addi %mul3A_2, %mul3A_94 : i32
      "tpu.region"() ({
        %run_scoped3A = tpu.sem_alloc : memref<!tpu.dma_semaphore, #tpu.memory_space<semaphore_mem>>
        %dma_start3A_97 = arith.constant 0 : i32
        %dma_start3A_98 = tpu.memref_slice %arg29[%add3A_95, %dma_start3A_97] : memref<10000x128xf32, #tpu.memory_space<vmem_shared>> -> memref<40x128xf32, #tpu.memory_space<vmem_shared>>
        %dma_start3A_99 = arith.constant 0 : i32
        %dma_start3A_100 = tpu.memref_slice %arg29[%add3A_95, %dma_start3A_99] : memref<10000x128xf32, #tpu.memory_space<vmem_shared>> -> memref<40x128xf32, #tpu.memory_space<vmem_shared>>
        tpu.enqueue_dma source(%arg14 : memref<40x128xf32, #tpu.memory_space<vmem>>) target(%dma_start3A_100 : memref<40x128xf32, #tpu.memory_space<vmem_shared>>) target_semaphore(%run_scoped3A : memref<!tpu.dma_semaphore, #tpu.memory_space<semaphore_mem>>)
        %dma_wait3A_101 = arith.constant 0 : i32
        %dma_wait3A_102 = tpu.memref_slice %arg29[%add3A_95, %dma_wait3A_101] : memref<10000x128xf32, #tpu.memory_space<vmem_shared>> -> memref<40x128xf32, #tpu.memory_space<vmem_shared>>
        %dma_wait3A_103 = arith.constant 0 : i32
        %dma_wait3A_104 = tpu.memref_slice %arg29[%add3A_95, %dma_wait3A_103] : memref<10000x128xf32, #tpu.memory_space<vmem_shared>> -> memref<40x128xf32, #tpu.memory_space<vmem_shared>>
        tpu.wait_dma2 semaphore(%run_scoped3A : memref<!tpu.dma_semaphore, #tpu.memory_space<semaphore_mem>>) src(%arg14 : memref<40x128xf32, #tpu.memory_space<vmem>>) dst(%dma_wait3A_104 : memref<40x128xf32, #tpu.memory_space<vmem_shared>>)
        tpu.yield
      }) : () -> ()
      %while3A_96 = arith.constant 0 : i32
      scf.yield %while3A_96 : i32
    }
    %while3A_22 = arith.constant 1 : i32
    %while3A_23 = scf.for %while3A_91 = %while3A_19 to %while3A_15 step %while3A_22 iter_args(%while3A_92 = %while3A_21) -> (i32)  : i32 {
      %mul3A_93 = arith.constant 40 : i32
      %mul3A_94 = arith.muli %while3A_91, %mul3A_93 : i32
      %add3A_95 = arith.addi %mul3A_2, %mul3A_94 : i32
      "tpu.region"() ({
        %run_scoped3A = tpu.sem_alloc : memref<!tpu.dma_semaphore, #tpu.memory_space<semaphore_mem>>
        %dma_start3A_97 = arith.constant 0 : i32
        %dma_start3A_98 = tpu.memref_slice %arg29[%add3A_95, %dma_start3A_97] : memref<10000x128xf32, #tpu.memory_space<vmem_shared>> -> memref<40x128xf32, #tpu.memory_space<vmem_shared>>
        %dma_start3A_99 = arith.constant 0 : i32
        %dma_start3A_100 = tpu.memref_slice %arg29[%add3A_95, %dma_start3A_99] : memref<10000x128xf32, #tpu.memory_space<vmem_shared>> -> memref<40x128xf32, #tpu.memory_space<vmem_shared>>
        tpu.enqueue_dma source(%arg14 : memref<40x128xf32, #tpu.memory_space<vmem>>) target(%dma_start3A_100 : memref<40x128xf32, #tpu.memory_space<vmem_shared>>) target_semaphore(%run_scoped3A : memref<!tpu.dma_semaphore, #tpu.memory_space<semaphore_mem>>)
        %dma_wait3A_101 = arith.constant 0 : i32
        %dma_wait3A_102 = tpu.memref_slice %arg29[%add3A_95, %dma_wait3A_101] : memref<10000x128xf32, #tpu.memory_space<vmem_shared>> -> memref<40x128xf32, #tpu.memory_space<vmem_shared>>
        %dma_wait3A_103 = arith.constant 0 : i32
        %dma_wait3A_104 = tpu.memref_slice %arg29[%add3A_95, %dma_wait3A_103] : memref<10000x128xf32, #tpu.memory_space<vmem_shared>> -> memref<40x128xf32, #tpu.memory_space<vmem_shared>>
        tpu.wait_dma2 semaphore(%run_scoped3A : memref<!tpu.dma_semaphore, #tpu.memory_space<semaphore_mem>>) src(%arg14 : memref<40x128xf32, #tpu.memory_space<vmem>>) dst(%dma_wait3A_104 : memref<40x128xf32, #tpu.memory_space<vmem_shared>>)
        tpu.yield
      }) : () -> ()
      %while3A_96 = arith.constant 0 : i32
      scf.yield %while3A_96 : i32
    }
    %barrier3A = arith.constant 0 : index
    tpu.barrier barrier_id(%barrier3A)
    %add3A_24 = arith.constant 0 : i32
    %add3A_25 = arith.addi %mul3A_6, %add3A_24 : i32
    %dma_start3A = arith.constant 0 : i32
    %dma_start3A_26 = tpu.memref_slice %arg3[%add3A_25, %dma_start3A] : memref<320000x128xf32, #tpu.memory_space<hbm>> -> memref<40x128xf32, #tpu.memory_space<hbm>>
    %dma_start3A_27 = arith.constant 0 : i32
    %dma_start3A_28 = tpu.memref_slice %arg3[%add3A_25, %dma_start3A_27] : memref<320000x128xf32, #tpu.memory_space<hbm>> -> memref<40x128xf32, #tpu.memory_space<hbm>>
    tpu.enqueue_dma source(%dma_start3A_28 : memref<40x128xf32, #tpu.memory_space<hbm>>) target(%arg11 : memref<40x128xf32, #tpu.memory_space<vmem>>) target_semaphore(%arg17 : memref<!tpu.dma_semaphore, #tpu.memory_space<semaphore_mem>>)
    %dma_start3A_29 = arith.constant 0 : i32
    %dma_start3A_30 = tpu.memref_slice %arg7[%dma_start3A_29] : memref<10000xi32, #tpu.memory_space<vmem>> -> memref<40xi32, #tpu.memory_space<vmem>>
    %dma_start3A_31 = arith.constant 0 : i32
    %dma_start3A_32 = arith.constant 0 : i32
    %dma_start3A_33 = tpu.memref_slice %arg2[%dma_start3A_31, %dma_start3A_32] : memref<10000x128xf32, #tpu.memory_space<hbm>> -> memref<10000x128xf32, #tpu.memory_space<hbm>>
    tpu.enqueue_indirect_dma source(%dma_start3A_33 : memref<10000x128xf32, #tpu.memory_space<hbm>>) target(%arg14 : memref<40x128xf32, #tpu.memory_space<vmem>>) offsets(%dma_start3A_30 : memref<40xi32, #tpu.memory_space<vmem>>) semaphore(%arg20 : memref<!tpu.dma_semaphore, #tpu.memory_space<semaphore_mem>>)
    %add3A_34 = arith.constant 0 : i32
    %add3A_35 = arith.addi %mul3A_6, %add3A_34 : i32
    %dma_start3A_36 = tpu.memref_slice %arg5[%add3A_35] : memref<320000xi32, #tpu.memory_space<hbm>> -> memref<40xi32, #tpu.memory_space<hbm>>
    %dma_start3A_37 = tpu.memref_slice %arg5[%add3A_35] : memref<320000xi32, #tpu.memory_space<hbm>> -> memref<40xi32, #tpu.memory_space<hbm>>
    tpu.enqueue_dma source(%dma_start3A_37 : memref<40xi32, #tpu.memory_space<hbm>>) target(%arg8 : memref<40xi32, #tpu.memory_space<vmem>>) target_semaphore(%arg23 : memref<!tpu.dma_semaphore, #tpu.memory_space<semaphore_mem>>)
    %scan3A_38 = arith.constant 0 : i32
    %scan3A_39 = arith.constant 0 : i32
    %scan3A_40 = arith.constant 83 : i32
    %scan3A_41 = arith.addi %scan3A_39, %scan3A_40 : i32
    %scan3A_42 = arith.constant 1 : i32
    %scan3A_43 = scf.for %scan3A_91 = %scan3A_39 to %scan3A_41 step %scan3A_42 iter_args(%scan3A_92 = %scan3A_38) -> (i32)  : i32 {
      %mul3A_93 = arith.constant 3 : i32
      %mul3A_94 = arith.muli %scan3A_91, %mul3A_93 : i32
      %add3A_95 = arith.constant 0 : i32
      %add3A_96 = arith.addi %mul3A_94, %add3A_95 : i32
      %ge3A = arith.constant 2 : i32
      %ge3A_97 = arith.cmpi sge, %add3A_96, %ge3A : i32
      %convert_element_type3A = arith.extui %ge3A_97 : i1 to i32
      %cond3A = arith.constant 0 : i32
      %cond3A_98 = arith.cmpi ne, %convert_element_type3A, %cond3A : i32
      scf.if %cond3A_98 {
        %sub3A = arith.constant 2 : i32
        %sub3A_274 = arith.subi %add3A_96, %sub3A : i32
        %dma_wait3A_275 = arith.constant 0 : i32
        %dma_wait3A_276 = arith.constant 0 : i32
        %dma_wait3A_277 = tpu.memref_slice %arg29[%dma_wait3A_275, %dma_wait3A_276] : memref<10000x128xf32, #tpu.memory_space<vmem_shared>> -> memref<10000x128xf32, #tpu.memory_space<vmem_shared>>
        tpu.wait_indirect_dma semaphore(%arg27 : memref<!tpu.dma_semaphore, #tpu.memory_space<semaphore_mem>>) src(%arg15 : memref<40x128xf32, #tpu.memory_space<vmem>>) dst(%dma_wait3A_277 : memref<10000x128xf32, #tpu.memory_space<vmem_shared>>)
      } else {
      }
      %add3A_99 = arith.constant 1 : i32
      %add3A_100 = arith.addi %add3A_96, %add3A_99 : i32
      %mul3A_101 = arith.constant 40 : i32
      %mul3A_102 = arith.muli %add3A_100, %mul3A_101 : i32
      %add3A_103 = arith.addi %mul3A_6, %mul3A_102 : i32
      %dma_start3A_104 = arith.constant 0 : i32
      %dma_start3A_105 = tpu.memref_slice %arg3[%add3A_103, %dma_start3A_104] : memref<320000x128xf32, #tpu.memory_space<hbm>> -> memref<40x128xf32, #tpu.memory_space<hbm>>
      %dma_start3A_106 = arith.constant 0 : i32
      %dma_start3A_107 = tpu.memref_slice %arg3[%add3A_103, %dma_start3A_106] : memref<320000x128xf32, #tpu.memory_space<hbm>> -> memref<40x128xf32, #tpu.memory_space<hbm>>
      tpu.enqueue_dma source(%dma_start3A_107 : memref<40x128xf32, #tpu.memory_space<hbm>>) target(%arg12 : memref<40x128xf32, #tpu.memory_space<vmem>>) target_semaphore(%arg18 : memref<!tpu.dma_semaphore, #tpu.memory_space<semaphore_mem>>)
      %add3A_108 = arith.constant 1 : i32
      %add3A_109 = arith.addi %add3A_96, %add3A_108 : i32
      %mul3A_110 = arith.constant 40 : i32
      %mul3A_111 = arith.muli %add3A_109, %mul3A_110 : i32
      %dma_start3A_112 = tpu.memref_slice %arg7[%mul3A_111] : memref<10000xi32, #tpu.memory_space<vmem>> -> memref<40xi32, #tpu.memory_space<vmem>>
      %dma_start3A_113 = arith.constant 0 : i32
      %dma_start3A_114 = arith.constant 0 : i32
      %dma_start3A_115 = tpu.memref_slice %arg2[%dma_start3A_113, %dma_start3A_114] : memref<10000x128xf32, #tpu.memory_space<hbm>> -> memref<10000x128xf32, #tpu.memory_space<hbm>>
      tpu.enqueue_indirect_dma source(%dma_start3A_115 : memref<10000x128xf32, #tpu.memory_space<hbm>>) target(%arg15 : memref<40x128xf32, #tpu.memory_space<vmem>>) offsets(%dma_start3A_112 : memref<40xi32, #tpu.memory_space<vmem>>) semaphore(%arg21 : memref<!tpu.dma_semaphore, #tpu.memory_space<semaphore_mem>>)
      %add3A_116 = arith.constant 1 : i32
      %add3A_117 = arith.addi %add3A_96, %add3A_116 : i32
      %mul3A_118 = arith.constant 40 : i32
      %mul3A_119 = arith.muli %add3A_117, %mul3A_118 : i32
      %add3A_120 = arith.addi %mul3A_6, %mul3A_119 : i32
      %dma_start3A_121 = tpu.memref_slice %arg5[%add3A_120] : memref<320000xi32, #tpu.memory_space<hbm>> -> memref<40xi32, #tpu.memory_space<hbm>>
      %dma_start3A_122 = tpu.memref_slice %arg5[%add3A_120] : memref<320000xi32, #tpu.memory_space<hbm>> -> memref<40xi32, #tpu.memory_space<hbm>>
      tpu.enqueue_dma source(%dma_start3A_122 : memref<40xi32, #tpu.memory_space<hbm>>) target(%arg9 : memref<40xi32, #tpu.memory_space<vmem>>) target_semaphore(%arg24 : memref<!tpu.dma_semaphore, #tpu.memory_space<semaphore_mem>>)
      %mul3A_123 = arith.constant 40 : i32
      %mul3A_124 = arith.muli %add3A_96, %mul3A_123 : i32
      %add3A_125 = arith.addi %mul3A_6, %mul3A_124 : i32
      %dma_wait3A_126 = arith.constant 0 : i32
      %dma_wait3A_127 = tpu.memref_slice %arg3[%add3A_125, %dma_wait3A_126] : memref<320000x128xf32, #tpu.memory_space<hbm>> -> memref<40x128xf32, #tpu.memory_space<hbm>>
      %dma_wait3A_128 = arith.constant 0 : i32
      %dma_wait3A_129 = tpu.memref_slice %arg3[%add3A_125, %dma_wait3A_128] : memref<320000x128xf32, #tpu.memory_space<hbm>> -> memref<40x128xf32, #tpu.memory_space<hbm>>
      tpu.wait_dma2 semaphore(%arg17 : memref<!tpu.dma_semaphore, #tpu.memory_space<semaphore_mem>>) src(%dma_wait3A_129 : memref<40x128xf32, #tpu.memory_space<hbm>>) dst(%arg11 : memref<40x128xf32, #tpu.memory_space<vmem>>)
      %mul3A_130 = arith.constant 40 : i32
      %mul3A_131 = arith.muli %add3A_96, %mul3A_130 : i32
      %dma_wait3A_132 = tpu.memref_slice %arg7[%mul3A_131] : memref<10000xi32, #tpu.memory_space<vmem>> -> memref<40xi32, #tpu.memory_space<vmem>>
      %dma_wait3A_133 = arith.constant 0 : i32
      %dma_wait3A_134 = arith.constant 0 : i32
      %dma_wait3A_135 = tpu.memref_slice %arg2[%dma_wait3A_133, %dma_wait3A_134] : memref<10000x128xf32, #tpu.memory_space<hbm>> -> memref<10000x128xf32, #tpu.memory_space<hbm>>
      tpu.wait_indirect_dma semaphore(%arg20 : memref<!tpu.dma_semaphore, #tpu.memory_space<semaphore_mem>>) src(%dma_wait3A_135 : memref<10000x128xf32, #tpu.memory_space<hbm>>) dst(%arg14 : memref<40x128xf32, #tpu.memory_space<vmem>>)
      %scan3A_136 = arith.constant 0 : i32
      %scan3A_137 = arith.constant 0 : i32
      %scan3A_138 = arith.constant 40 : i32
      %scan3A_139 = arith.addi %scan3A_137, %scan3A_138 : i32
      %scan3A_140 = arith.constant 1 : i32
      %scan3A_141 = scf.for %scan3A_274 = %scan3A_137 to %scan3A_139 step %scan3A_140 iter_args(%scan3A_275 = %scan3A_136) -> (i32)  : i32 {
        %get3A = arith.index_cast %scan3A_274 : i32 to index
        %get3A_276 = arith.constant 0 : index
        %get3A_277 = tpu.vector_load %arg14[%get3A, %get3A_276] {strides = array<i32>} : memref<40x128xf32, #tpu.memory_space<vmem>>, vector<1x16xf32>,
        %get3A_278 = vector.shape_cast %get3A_277 : vector<1x16xf32> to vector<16xf32>
        %get3A_279 = arith.index_cast %scan3A_274 : i32 to index
        %get3A_280 = arith.constant 0 : index
        %get3A_281 = tpu.vector_load %arg11[%get3A_279, %get3A_280] {strides = array<i32>} : memref<40x128xf32, #tpu.memory_space<vmem>>, vector<1x16xf32>,
        %get3A_282 = vector.shape_cast %get3A_281 : vector<1x16xf32> to vector<16xf32>
        %add3A_283 = arith.addf %get3A_278, %get3A_282 : vector<16xf32>
        %max3A = arith.constant 0.000000e+00 : f32
        %max3A_284 = vector.broadcast %max3A : f32 to vector<16xf32>
        %max3A_285 = arith.maximumf %add3A_283, %max3A_284 : vector<16xf32>
        %swap3A = arith.index_cast %scan3A_274 : i32 to index
        %swap3A_286 = arith.constant 0 : index
        %swap3A_287 = tpu.vector_load %arg14[%swap3A, %swap3A_286] {strides = array<i32>} : memref<40x128xf32, #tpu.memory_space<vmem>>, vector<1x16xf32>,
        %swap3A_288 = vector.shape_cast %swap3A_287 : vector<1x16xf32> to vector<16xf32>
        %swap3A_289 = vector.shape_cast %max3A_285 : vector<16xf32> to vector<1x16xf32>
        tpu.vector_store %arg14[%swap3A, %swap3A_286], %swap3A_289 {strides = array<i32>} : memref<40x128xf32, #tpu.memory_space<vmem>>, vector<1x16xf32>,
        %get3A_290 = arith.index_cast %scan3A_274 : i32 to index
        %get3A_291 = arith.constant 16 : index
        %get3A_292 = tpu.vector_load %arg14[%get3A_290, %get3A_291] {strides = array<i32>} : memref<40x128xf32, #tpu.memory_space<vmem>>, vector<1x16xf32>,
        %get3A_293 = vector.shape_cast %get3A_292 : vector<1x16xf32> to vector<16xf32>
        %get3A_294 = arith.index_cast %scan3A_274 : i32 to index
        %get3A_295 = arith.constant 16 : index
        %get3A_296 = tpu.vector_load %arg11[%get3A_294, %get3A_295] {strides = array<i32>} : memref<40x128xf32, #tpu.memory_space<vmem>>, vector<1x16xf32>,
        %get3A_297 = vector.shape_cast %get3A_296 : vector<1x16xf32> to vector<16xf32>
        %add3A_298 = arith.addf %get3A_293, %get3A_297 : vector<16xf32>
        %max3A_299 = arith.constant 0.000000e+00 : f32
        %max3A_300 = vector.broadcast %max3A_299 : f32 to vector<16xf32>
        %max3A_301 = arith.maximumf %add3A_298, %max3A_300 : vector<16xf32>
        %swap3A_302 = arith.index_cast %scan3A_274 : i32 to index
        %swap3A_303 = arith.constant 16 : index
        %swap3A_304 = tpu.vector_load %arg14[%swap3A_302, %swap3A_303] {strides = array<i32>} : memref<40x128xf32, #tpu.memory_space<vmem>>, vector<1x16xf32>,
        %swap3A_305 = vector.shape_cast %swap3A_304 : vector<1x16xf32> to vector<16xf32>
        %swap3A_306 = vector.shape_cast %max3A_301 : vector<16xf32> to vector<1x16xf32>
        tpu.vector_store %arg14[%swap3A_302, %swap3A_303], %swap3A_306 {strides = array<i32>} : memref<40x128xf32, #tpu.memory_space<vmem>>, vector<1x16xf32>,
        %get3A_307 = arith.index_cast %scan3A_274 : i32 to index
        %get3A_308 = arith.constant 32 : index
        %get3A_309 = tpu.vector_load %arg14[%get3A_307, %get3A_308] {strides = array<i32>} : memref<40x128xf32, #tpu.memory_space<vmem>>, vector<1x16xf32>,
        %get3A_310 = vector.shape_cast %get3A_309 : vector<1x16xf32> to vector<16xf32>
        %get3A_311 = arith.index_cast %scan3A_274 : i32 to index
        %get3A_312 = arith.constant 32 : index
        %get3A_313 = tpu.vector_load %arg11[%get3A_311, %get3A_312] {strides = array<i32>} : memref<40x128xf32, #tpu.memory_space<vmem>>, vector<1x16xf32>,
        %get3A_314 = vector.shape_cast %get3A_313 : vector<1x16xf32> to vector<16xf32>
        %add3A_315 = arith.addf %get3A_310, %get3A_314 : vector<16xf32>
        %max3A_316 = arith.constant 0.000000e+00 : f32
        %max3A_317 = vector.broadcast %max3A_316 : f32 to vector<16xf32>
        %max3A_318 = arith.maximumf %add3A_315, %max3A_317 : vector<16xf32>
        %swap3A_319 = arith.index_cast %scan3A_274 : i32 to index
        %swap3A_320 = arith.constant 32 : index
        %swap3A_321 = tpu.vector_load %arg14[%swap3A_319, %swap3A_320] {strides = array<i32>} : memref<40x128xf32, #tpu.memory_space<vmem>>, vector<1x16xf32>,
        %swap3A_322 = vector.shape_cast %swap3A_321 : vector<1x16xf32> to vector<16xf32>
        %swap3A_323 = vector.shape_cast %max3A_318 : vector<16xf32> to vector<1x16xf32>
        tpu.vector_store %arg14[%swap3A_319, %swap3A_320], %swap3A_323 {strides = array<i32>} : memref<40x128xf32, #tpu.memory_space<vmem>>, vector<1x16xf32>,
        %get3A_324 = arith.index_cast %scan3A_274 : i32 to index
        %get3A_325 = arith.constant 48 : index
        %get3A_326 = tpu.vector_load %arg14[%get3A_324, %get3A_325] {strides = array<i32>} : memref<40x128xf32, #tpu.memory_space<vmem>>, vector<1x16xf32>,
        %get3A_327 = vector.shape_cast %get3A_326 : vector<1x16xf32> to vector<16xf32>
        %get3A_328 = arith.index_cast %scan3A_274 : i32 to index
        %get3A_329 = arith.constant 48 : index
        %get3A_330 = tpu.vector_load %arg11[%get3A_328, %get3A_329] {strides = array<i32>} : memref<40x128xf32, #tpu.memory_space<vmem>>, vector<1x16xf32>,
        %get3A_331 = vector.shape_cast %get3A_330 : vector<1x16xf32> to vector<16xf32>
        %add3A_332 = arith.addf %get3A_327, %get3A_331 : vector<16xf32>
        %max3A_333 = arith.constant 0.000000e+00 : f32
        %max3A_334 = vector.broadcast %max3A_333 : f32 to vector<16xf32>
        %max3A_335 = arith.maximumf %add3A_332, %max3A_334 : vector<16xf32>
        %swap3A_336 = arith.index_cast %scan3A_274 : i32 to index
        %swap3A_337 = arith.constant 48 : index
        %swap3A_338 = tpu.vector_load %arg14[%swap3A_336, %swap3A_337] {strides = array<i32>} : memref<40x128xf32, #tpu.memory_space<vmem>>, vector<1x16xf32>,
        %swap3A_339 = vector.shape_cast %swap3A_338 : vector<1x16xf32> to vector<16xf32>
        %swap3A_340 = vector.shape_cast %max3A_335 : vector<16xf32> to vector<1x16xf32>
        tpu.vector_store %arg14[%swap3A_336, %swap3A_337], %swap3A_340 {strides = array<i32>} : memref<40x128xf32, #tpu.memory_space<vmem>>, vector<1x16xf32>,
        %get3A_341 = arith.index_cast %scan3A_274 : i32 to index
        %get3A_342 = arith.constant 64 : index
        %get3A_343 = tpu.vector_load %arg14[%get3A_341, %get3A_342] {strides = array<i32>} : memref<40x128xf32, #tpu.memory_space<vmem>>, vector<1x16xf32>,
        %get3A_344 = vector.shape_cast %get3A_343 : vector<1x16xf32> to vector<16xf32>
        %get3A_345 = arith.index_cast %scan3A_274 : i32 to index
        %get3A_346 = arith.constant 64 : index
        %get3A_347 = tpu.vector_load %arg11[%get3A_345, %get3A_346] {strides = array<i32>} : memref<40x128xf32, #tpu.memory_space<vmem>>, vector<1x16xf32>,
        %get3A_348 = vector.shape_cast %get3A_347 : vector<1x16xf32> to vector<16xf32>
        %add3A_349 = arith.addf %get3A_344, %get3A_348 : vector<16xf32>
        %max3A_350 = arith.constant 0.000000e+00 : f32
        %max3A_351 = vector.broadcast %max3A_350 : f32 to vector<16xf32>
        %max3A_352 = arith.maximumf %add3A_349, %max3A_351 : vector<16xf32>
        %swap3A_353 = arith.index_cast %scan3A_274 : i32 to index
        %swap3A_354 = arith.constant 64 : index
        %swap3A_355 = tpu.vector_load %arg14[%swap3A_353, %swap3A_354] {strides = array<i32>} : memref<40x128xf32, #tpu.memory_space<vmem>>, vector<1x16xf32>,
        %swap3A_356 = vector.shape_cast %swap3A_355 : vector<1x16xf32> to vector<16xf32>
        %swap3A_357 = vector.shape_cast %max3A_352 : vector<16xf32> to vector<1x16xf32>
        tpu.vector_store %arg14[%swap3A_353, %swap3A_354], %swap3A_357 {strides = array<i32>} : memref<40x128xf32, #tpu.memory_space<vmem>>, vector<1x16xf32>,
        %get3A_358 = arith.index_cast %scan3A_274 : i32 to index
        %get3A_359 = arith.constant 80 : index
        %get3A_360 = tpu.vector_load %arg14[%get3A_358, %get3A_359] {strides = array<i32>} : memref<40x128xf32, #tpu.memory_space<vmem>>, vector<1x16xf32>,
        %get3A_361 = vector.shape_cast %get3A_360 : vector<1x16xf32> to vector<16xf32>
        %get3A_362 = arith.index_cast %scan3A_274 : i32 to index
        %get3A_363 = arith.constant 80 : index
        %get3A_364 = tpu.vector_load %arg11[%get3A_362, %get3A_363] {strides = array<i32>} : memref<40x128xf32, #tpu.memory_space<vmem>>, vector<1x16xf32>,
        %get3A_365 = vector.shape_cast %get3A_364 : vector<1x16xf32> to vector<16xf32>
        %add3A_366 = arith.addf %get3A_361, %get3A_365 : vector<16xf32>
        %max3A_367 = arith.constant 0.000000e+00 : f32
        %max3A_368 = vector.broadcast %max3A_367 : f32 to vector<16xf32>
        %max3A_369 = arith.maximumf %add3A_366, %max3A_368 : vector<16xf32>
        %swap3A_370 = arith.index_cast %scan3A_274 : i32 to index
        %swap3A_371 = arith.constant 80 : index
        %swap3A_372 = tpu.vector_load %arg14[%swap3A_370, %swap3A_371] {strides = array<i32>} : memref<40x128xf32, #tpu.memory_space<vmem>>, vector<1x16xf32>,
        %swap3A_373 = vector.shape_cast %swap3A_372 : vector<1x16xf32> to vector<16xf32>
        %swap3A_374 = vector.shape_cast %max3A_369 : vector<16xf32> to vector<1x16xf32>
        tpu.vector_store %arg14[%swap3A_370, %swap3A_371], %swap3A_374 {strides = array<i32>} : memref<40x128xf32, #tpu.memory_space<vmem>>, vector<1x16xf32>,
        %get3A_375 = arith.index_cast %scan3A_274 : i32 to index
        %get3A_376 = arith.constant 96 : index
        %get3A_377 = tpu.vector_load %arg14[%get3A_375, %get3A_376] {strides = array<i32>} : memref<40x128xf32, #tpu.memory_space<vmem>>, vector<1x16xf32>,
        %get3A_378 = vector.shape_cast %get3A_377 : vector<1x16xf32> to vector<16xf32>
        %get3A_379 = arith.index_cast %scan3A_274 : i32 to index
        %get3A_380 = arith.constant 96 : index
        %get3A_381 = tpu.vector_load %arg11[%get3A_379, %get3A_380] {strides = array<i32>} : memref<40x128xf32, #tpu.memory_space<vmem>>, vector<1x16xf32>,
        %get3A_382 = vector.shape_cast %get3A_381 : vector<1x16xf32> to vector<16xf32>
        %add3A_383 = arith.addf %get3A_378, %get3A_382 : vector<16xf32>
        %max3A_384 = arith.constant 0.000000e+00 : f32
        %max3A_385 = vector.broadcast %max3A_384 : f32 to vector<16xf32>
        %max3A_386 = arith.maximumf %add3A_383, %max3A_385 : vector<16xf32>
        %swap3A_387 = arith.index_cast %scan3A_274 : i32 to index
        %swap3A_388 = arith.constant 96 : index
        %swap3A_389 = tpu.vector_load %arg14[%swap3A_387, %swap3A_388] {strides = array<i32>} : memref<40x128xf32, #tpu.memory_space<vmem>>, vector<1x16xf32>,
        %swap3A_390 = vector.shape_cast %swap3A_389 : vector<1x16xf32> to vector<16xf32>
        %swap3A_391 = vector.shape_cast %max3A_386 : vector<16xf32> to vector<1x16xf32>
        tpu.vector_store %arg14[%swap3A_387, %swap3A_388], %swap3A_391 {strides = array<i32>} : memref<40x128xf32, #tpu.memory_space<vmem>>, vector<1x16xf32>,
        %get3A_392 = arith.index_cast %scan3A_274 : i32 to index
        %get3A_393 = arith.constant 112 : index
        %get3A_394 = tpu.vector_load %arg14[%get3A_392, %get3A_393] {strides = array<i32>} : memref<40x128xf32, #tpu.memory_space<vmem>>, vector<1x16xf32>,
        %get3A_395 = vector.shape_cast %get3A_394 : vector<1x16xf32> to vector<16xf32>
        %get3A_396 = arith.index_cast %scan3A_274 : i32 to index
        %get3A_397 = arith.constant 112 : index
        %get3A_398 = tpu.vector_load %arg11[%get3A_396, %get3A_397] {strides = array<i32>} : memref<40x128xf32, #tpu.memory_space<vmem>>, vector<1x16xf32>,
        %get3A_399 = vector.shape_cast %get3A_398 : vector<1x16xf32> to vector<16xf32>
        %add3A_400 = arith.addf %get3A_395, %get3A_399 : vector<16xf32>
        %max3A_401 = arith.constant 0.000000e+00 : f32
        %max3A_402 = vector.broadcast %max3A_401 : f32 to vector<16xf32>
        %max3A_403 = arith.maximumf %add3A_400, %max3A_402 : vector<16xf32>
        %swap3A_404 = arith.index_cast %scan3A_274 : i32 to index
        %swap3A_405 = arith.constant 112 : index
        %swap3A_406 = tpu.vector_load %arg14[%swap3A_404, %swap3A_405] {strides = array<i32>} : memref<40x128xf32, #tpu.memory_space<vmem>>, vector<1x16xf32>,
        %swap3A_407 = vector.shape_cast %swap3A_406 : vector<1x16xf32> to vector<16xf32>
        %swap3A_408 = vector.shape_cast %max3A_403 : vector<16xf32> to vector<1x16xf32>
        tpu.vector_store %arg14[%swap3A_404, %swap3A_405], %swap3A_408 {strides = array<i32>} : memref<40x128xf32, #tpu.memory_space<vmem>>, vector<1x16xf32>,
        %scan3A_409 = arith.constant 0 : i32
        scf.yield %scan3A_409 : i32
      }
      %scan3A_142 = arith.constant 40 : i32
      %mul3A_143 = arith.constant 40 : i32
      %mul3A_144 = arith.muli %add3A_96, %mul3A_143 : i32
      %add3A_145 = arith.addi %mul3A_6, %mul3A_144 : i32
      %dma_wait3A_146 = tpu.memref_slice %arg5[%add3A_145] : memref<320000xi32, #tpu.memory_space<hbm>> -> memref<40xi32, #tpu.memory_space<hbm>>
      %dma_wait3A_147 = tpu.memref_slice %arg5[%add3A_145] : memref<320000xi32, #tpu.memory_space<hbm>> -> memref<40xi32, #tpu.memory_space<hbm>>
      tpu.wait_dma2 semaphore(%arg23 : memref<!tpu.dma_semaphore, #tpu.memory_space<semaphore_mem>>) src(%dma_wait3A_147 : memref<40xi32, #tpu.memory_space<hbm>>) dst(%arg8 : memref<40xi32, #tpu.memory_space<vmem>>)
      %dma_start3A_148 = arith.constant 0 : i32
      %dma_start3A_149 = arith.constant 0 : i32
      %dma_start3A_150 = tpu.memref_slice %arg29[%dma_start3A_148, %dma_start3A_149] : memref<10000x128xf32, #tpu.memory_space<vmem_shared>> -> memref<10000x128xf32, #tpu.memory_space<vmem_shared>>
      tpu.enqueue_indirect_dma source(%arg14 : memref<40x128xf32, #tpu.memory_space<vmem>>) target(%dma_start3A_150 : memref<10000x128xf32, #tpu.memory_space<vmem_shared>>) offsets(%arg8 : memref<40xi32, #tpu.memory_space<vmem>>) semaphore(%arg26 : memref<!tpu.dma_semaphore, #tpu.memory_space<semaphore_mem>>) {add = true}
      %mul3A_151 = arith.constant 3 : i32
      %mul3A_152 = arith.muli %scan3A_91, %mul3A_151 : i32
      %add3A_153 = arith.constant 1 : i32
      %add3A_154 = arith.addi %mul3A_152, %add3A_153 : i32
      %ge3A_155 = arith.constant 2 : i32
      %ge3A_156 = arith.cmpi sge, %add3A_154, %ge3A_155 : i32
      %convert_element_type3A_157 = arith.extui %ge3A_156 : i1 to i32
      %cond3A_158 = arith.constant 0 : i32
      %cond3A_159 = arith.cmpi ne, %convert_element_type3A_157, %cond3A_158 : i32
      scf.if %cond3A_159 {
        %sub3A = arith.constant 2 : i32
        %sub3A_274 = arith.subi %add3A_154, %sub3A : i32
        %dma_wait3A_275 = arith.constant 0 : i32
        %dma_wait3A_276 = arith.constant 0 : i32
        %dma_wait3A_277 = tpu.memref_slice %arg29[%dma_wait3A_275, %dma_wait3A_276] : memref<10000x128xf32, #tpu.memory_space<vmem_shared>> -> memref<10000x128xf32, #tpu.memory_space<vmem_shared>>
        tpu.wait_indirect_dma semaphore(%arg28 : memref<!tpu.dma_semaphore, #tpu.memory_space<semaphore_mem>>) src(%arg16 : memref<40x128xf32, #tpu.memory_space<vmem>>) dst(%dma_wait3A_277 : memref<10000x128xf32, #tpu.memory_space<vmem_shared>>)
      } else {
      }
      %add3A_160 = arith.constant 1 : i32
      %add3A_161 = arith.addi %add3A_154, %add3A_160 : i32
      %mul3A_162 = arith.constant 40 : i32
      %mul3A_163 = arith.muli %add3A_161, %mul3A_162 : i32
      %add3A_164 = arith.addi %mul3A_6, %mul3A_163 : i32
      %dma_start3A_165 = arith.constant 0 : i32
      %dma_start3A_166 = tpu.memref_slice %arg3[%add3A_164, %dma_start3A_165] : memref<320000x128xf32, #tpu.memory_space<hbm>> -> memref<40x128xf32, #tpu.memory_space<hbm>>
      %dma_start3A_167 = arith.constant 0 : i32
      %dma_start3A_168 = tpu.memref_slice %arg3[%add3A_164, %dma_start3A_167] : memref<320000x128xf32, #tpu.memory_space<hbm>> -> memref<40x128xf32, #tpu.memory_space<hbm>>
      tpu.enqueue_dma source(%dma_start3A_168 : memref<40x128xf32, #tpu.memory_space<hbm>>) target(%arg13 : memref<40x128xf32, #tpu.memory_space<vmem>>) target_semaphore(%arg19 : memref<!tpu.dma_semaphore, #tpu.memory_space<semaphore_mem>>)
      %add3A_169 = arith.constant 1 : i32
      %add3A_170 = arith.addi %add3A_154, %add3A_169 : i32
      %mul3A_171 = arith.constant 40 : i32
      %mul3A_172 = arith.muli %add3A_170, %mul3A_171 : i32
      %dma_start3A_173 = tpu.memref_slice %arg7[%mul3A_172] : memref<10000xi32, #tpu.memory_space<vmem>> -> memref<40xi32, #tpu.memory_space<vmem>>
      %dma_start3A_174 = arith.constant 0 : i32
      %dma_start3A_175 = arith.constant 0 : i32
      %dma_start3A_176 = tpu.memref_slice %arg2[%dma_start3A_174, %dma_start3A_175] : memref<10000x128xf32, #tpu.memory_space<hbm>> -> memref<10000x128xf32, #tpu.memory_space<hbm>>
      tpu.enqueue_indirect_dma source(%dma_start3A_176 : memref<10000x128xf32, #tpu.memory_space<hbm>>) target(%arg16 : memref<40x128xf32, #tpu.memory_space<vmem>>) offsets(%dma_start3A_173 : memref<40xi32, #tpu.memory_space<vmem>>) semaphore(%arg22 : memref<!tpu.dma_semaphore, #tpu.memory_space<semaphore_mem>>)
      %add3A_177 = arith.constant 1 : i32
      %add3A_178 = arith.addi %add3A_154, %add3A_177 : i32
      %mul3A_179 = arith.constant 40 : i32
      %mul3A_180 = arith.muli %add3A_178, %mul3A_179 : i32
      %add3A_181 = arith.addi %mul3A_6, %mul3A_180 : i32
      %dma_start3A_182 = tpu.memref_slice %arg5[%add3A_181] : memref<320000xi32, #tpu.memory_space<hbm>> -> memref<40xi32, #tpu.memory_space<hbm>>
      %dma_start3A_183 = tpu.memref_slice %arg5[%add3A_181] : memref<320000xi32, #tpu.memory_space<hbm>> -> memref<40xi32, #tpu.memory_space<hbm>>
      tpu.enqueue_dma source(%dma_start3A_183 : memref<40xi32, #tpu.memory_space<hbm>>) target(%arg10 : memref<40xi32, #tpu.memory_space<vmem>>) target_semaphore(%arg25 : memref<!tpu.dma_semaphore, #tpu.memory_space<semaphore_mem>>)
      %mul3A_184 = arith.constant 40 : i32
      %mul3A_185 = arith.muli %add3A_154, %mul3A_184 : i32
      %add3A_186 = arith.addi %mul3A_6, %mul3A_185 : i32
      %dma_wait3A_187 = arith.constant 0 : i32
      %dma_wait3A_188 = tpu.memref_slice %arg3[%add3A_186, %dma_wait3A_187] : memref<320000x128xf32, #tpu.memory_space<hbm>> -> memref<40x128xf32, #tpu.memory_space<hbm>>
      %dma_wait3A_189 = arith.constant 0 : i32
      %dma_wait3A_190 = tpu.memref_slice %arg3[%add3A_186, %dma_wait3A_189] : memref<320000x128xf32, #tpu.memory_space<hbm>> -> memref<40x128xf32, #tpu.memory_space<hbm>>
      tpu.wait_dma2 semaphore(%arg18 : memref<!tpu.dma_semaphore, #tpu.memory_space<semaphore_mem>>) src(%dma_wait3A_190 : memref<40x128xf32, #tpu.memory_space<hbm>>) dst(%arg12 : memref<40x128xf32, #tpu.memory_space<vmem>>)
      %mul3A_191 = arith.constant 40 : i32
      %mul3A_192 = arith.muli %add3A_154, %mul3A_191 : i32
      %dma_wait3A_193 = tpu.memref_slice %arg7[%mul3A_192] : memref<10000xi32, #tpu.memory_space<vmem>> -> memref<40xi32, #tpu.memory_space<vmem>>
      %dma_wait3A_194 = arith.constant 0 : i32
      %dma_wait3A_195 = arith.constant 0 : i32
      %dma_wait3A_196 = tpu.memref_slice %arg2[%dma_wait3A_194, %dma_wait3A_195] : memref<10000x128xf32, #tpu.memory_space<hbm>> -> memref<10000x128xf32, #tpu.memory_space<hbm>>
      tpu.wait_indirect_dma semaphore(%arg21 : memref<!tpu.dma_semaphore, #tpu.memory_space<semaphore_mem>>) src(%dma_wait3A_196 : memref<10000x128xf32, #tpu.memory_space<hbm>>) dst(%arg15 : memref<40x128xf32, #tpu.memory_space<vmem>>)
      %scan3A_197 = arith.constant 0 : i32
      %scan3A_198 = arith.constant 0 : i32
      %scan3A_199 = arith.constant 40 : i32
      %scan3A_200 = arith.addi %scan3A_198, %scan3A_199 : i32
      %scan3A_201 = arith.constant 1 : i32
      %scan3A_202 = scf.for %scan3A_274 = %scan3A_198 to %scan3A_200 step %scan3A_201 iter_args(%scan3A_275 = %scan3A_197) -> (i32)  : i32 {
        %get3A = arith.index_cast %scan3A_274 : i32 to index
        %get3A_276 = arith.constant 0 : index
        %get3A_277 = tpu.vector_load %arg15[%get3A, %get3A_276] {strides = array<i32>} : memref<40x128xf32, #tpu.memory_space<vmem>>, vector<1x16xf32>,
        %get3A_278 = vector.shape_cast %get3A_277 : vector<1x16xf32> to vector<16xf32>
        %get3A_279 = arith.index_cast %scan3A_274 : i32 to index
        %get3A_280 = arith.constant 0 : index
        %get3A_281 = tpu.vector_load %arg12[%get3A_279, %get3A_280] {strides = array<i32>} : memref<40x128xf32, #tpu.memory_space<vmem>>, vector<1x16xf32>,
        %get3A_282 = vector.shape_cast %get3A_281 : vector<1x16xf32> to vector<16xf32>
        %add3A_283 = arith.addf %get3A_278, %get3A_282 : vector<16xf32>
        %max3A = arith.constant 0.000000e+00 : f32
        %max3A_284 = vector.broadcast %max3A : f32 to vector<16xf32>
        %max3A_285 = arith.maximumf %add3A_283, %max3A_284 : vector<16xf32>
        %swap3A = arith.index_cast %scan3A_274 : i32 to index
        %swap3A_286 = arith.constant 0 : index
        %swap3A_287 = tpu.vector_load %arg15[%swap3A, %swap3A_286] {strides = array<i32>} : memref<40x128xf32, #tpu.memory_space<vmem>>, vector<1x16xf32>,
        %swap3A_288 = vector.shape_cast %swap3A_287 : vector<1x16xf32> to vector<16xf32>
        %swap3A_289 = vector.shape_cast %max3A_285 : vector<16xf32> to vector<1x16xf32>
        tpu.vector_store %arg15[%swap3A, %swap3A_286], %swap3A_289 {strides = array<i32>} : memref<40x128xf32, #tpu.memory_space<vmem>>, vector<1x16xf32>,
        %get3A_290 = arith.index_cast %scan3A_274 : i32 to index
        %get3A_291 = arith.constant 16 : index
        %get3A_292 = tpu.vector_load %arg15[%get3A_290, %get3A_291] {strides = array<i32>} : memref<40x128xf32, #tpu.memory_space<vmem>>, vector<1x16xf32>,
        %get3A_293 = vector.shape_cast %get3A_292 : vector<1x16xf32> to vector<16xf32>
        %get3A_294 = arith.index_cast %scan3A_274 : i32 to index
        %get3A_295 = arith.constant 16 : index
        %get3A_296 = tpu.vector_load %arg12[%get3A_294, %get3A_295] {strides = array<i32>} : memref<40x128xf32, #tpu.memory_space<vmem>>, vector<1x16xf32>,
        %get3A_297 = vector.shape_cast %get3A_296 : vector<1x16xf32> to vector<16xf32>
        %add3A_298 = arith.addf %get3A_293, %get3A_297 : vector<16xf32>
        %max3A_299 = arith.constant 0.000000e+00 : f32
        %max3A_300 = vector.broadcast %max3A_299 : f32 to vector<16xf32>
        %max3A_301 = arith.maximumf %add3A_298, %max3A_300 : vector<16xf32>
        %swap3A_302 = arith.index_cast %scan3A_274 : i32 to index
        %swap3A_303 = arith.constant 16 : index
        %swap3A_304 = tpu.vector_load %arg15[%swap3A_302, %swap3A_303] {strides = array<i32>} : memref<40x128xf32, #tpu.memory_space<vmem>>, vector<1x16xf32>,
        %swap3A_305 = vector.shape_cast %swap3A_304 : vector<1x16xf32> to vector<16xf32>
        %swap3A_306 = vector.shape_cast %max3A_301 : vector<16xf32> to vector<1x16xf32>
        tpu.vector_store %arg15[%swap3A_302, %swap3A_303], %swap3A_306 {strides = array<i32>} : memref<40x128xf32, #tpu.memory_space<vmem>>, vector<1x16xf32>,
        %get3A_307 = arith.index_cast %scan3A_274 : i32 to index
        %get3A_308 = arith.constant 32 : index
        %get3A_309 = tpu.vector_load %arg15[%get3A_307, %get3A_308] {strides = array<i32>} : memref<40x128xf32, #tpu.memory_space<vmem>>, vector<1x16xf32>,
        %get3A_310 = vector.shape_cast %get3A_309 : vector<1x16xf32> to vector<16xf32>
        %get3A_311 = arith.index_cast %scan3A_274 : i32 to index
        %get3A_312 = arith.constant 32 : index
        %get3A_313 = tpu.vector_load %arg12[%get3A_311, %get3A_312] {strides = array<i32>} : memref<40x128xf32, #tpu.memory_space<vmem>>, vector<1x16xf32>,
        %get3A_314 = vector.shape_cast %get3A_313 : vector<1x16xf32> to vector<16xf32>
        %add3A_315 = arith.addf %get3A_310, %get3A_314 : vector<16xf32>
        %max3A_316 = arith.constant 0.000000e+00 : f32
        %max3A_317 = vector.broadcast %max3A_316 : f32 to vector<16xf32>
        %max3A_318 = arith.maximumf %add3A_315, %max3A_317 : vector<16xf32>
        %swap3A_319 = arith.index_cast %scan3A_274 : i32 to index
        %swap3A_320 = arith.constant 32 : index
        %swap3A_321 = tpu.vector_load %arg15[%swap3A_319, %swap3A_320] {strides = array<i32>} : memref<40x128xf32, #tpu.memory_space<vmem>>, vector<1x16xf32>,
        %swap3A_322 = vector.shape_cast %swap3A_321 : vector<1x16xf32> to vector<16xf32>
        %swap3A_323 = vector.shape_cast %max3A_318 : vector<16xf32> to vector<1x16xf32>
        tpu.vector_store %arg15[%swap3A_319, %swap3A_320], %swap3A_323 {strides = array<i32>} : memref<40x128xf32, #tpu.memory_space<vmem>>, vector<1x16xf32>,
        %get3A_324 = arith.index_cast %scan3A_274 : i32 to index
        %get3A_325 = arith.constant 48 : index
        %get3A_326 = tpu.vector_load %arg15[%get3A_324, %get3A_325] {strides = array<i32>} : memref<40x128xf32, #tpu.memory_space<vmem>>, vector<1x16xf32>,
        %get3A_327 = vector.shape_cast %get3A_326 : vector<1x16xf32> to vector<16xf32>
        %get3A_328 = arith.index_cast %scan3A_274 : i32 to index
        %get3A_329 = arith.constant 48 : index
        %get3A_330 = tpu.vector_load %arg12[%get3A_328, %get3A_329] {strides = array<i32>} : memref<40x128xf32, #tpu.memory_space<vmem>>, vector<1x16xf32>,
        %get3A_331 = vector.shape_cast %get3A_330 : vector<1x16xf32> to vector<16xf32>
        %add3A_332 = arith.addf %get3A_327, %get3A_331 : vector<16xf32>
        %max3A_333 = arith.constant 0.000000e+00 : f32
        %max3A_334 = vector.broadcast %max3A_333 : f32 to vector<16xf32>
        %max3A_335 = arith.maximumf %add3A_332, %max3A_334 : vector<16xf32>
        %swap3A_336 = arith.index_cast %scan3A_274 : i32 to index
        %swap3A_337 = arith.constant 48 : index
        %swap3A_338 = tpu.vector_load %arg15[%swap3A_336, %swap3A_337] {strides = array<i32>} : memref<40x128xf32, #tpu.memory_space<vmem>>, vector<1x16xf32>,
        %swap3A_339 = vector.shape_cast %swap3A_338 : vector<1x16xf32> to vector<16xf32>
        %swap3A_340 = vector.shape_cast %max3A_335 : vector<16xf32> to vector<1x16xf32>
        tpu.vector_store %arg15[%swap3A_336, %swap3A_337], %swap3A_340 {strides = array<i32>} : memref<40x128xf32, #tpu.memory_space<vmem>>, vector<1x16xf32>,
        %get3A_341 = arith.index_cast %scan3A_274 : i32 to index
        %get3A_342 = arith.constant 64 : index
        %get3A_343 = tpu.vector_load %arg15[%get3A_341, %get3A_342] {strides = array<i32>} : memref<40x128xf32, #tpu.memory_space<vmem>>, vector<1x16xf32>,
        %get3A_344 = vector.shape_cast %get3A_343 : vector<1x16xf32> to vector<16xf32>
        %get3A_345 = arith.index_cast %scan3A_274 : i32 to index
        %get3A_346 = arith.constant 64 : index
        %get3A_347 = tpu.vector_load %arg12[%get3A_345, %get3A_346] {strides = array<i32>} : memref<40x128xf32, #tpu.memory_space<vmem>>, vector<1x16xf32>,
        %get3A_348 = vector.shape_cast %get3A_347 : vector<1x16xf32> to vector<16xf32>
        %add3A_349 = arith.addf %get3A_344, %get3A_348 : vector<16xf32>
        %max3A_350 = arith.constant 0.000000e+00 : f32
        %max3A_351 = vector.broadcast %max3A_350 : f32 to vector<16xf32>
        %max3A_352 = arith.maximumf %add3A_349, %max3A_351 : vector<16xf32>
        %swap3A_353 = arith.index_cast %scan3A_274 : i32 to index
        %swap3A_354 = arith.constant 64 : index
        %swap3A_355 = tpu.vector_load %arg15[%swap3A_353, %swap3A_354] {strides = array<i32>} : memref<40x128xf32, #tpu.memory_space<vmem>>, vector<1x16xf32>,
        %swap3A_356 = vector.shape_cast %swap3A_355 : vector<1x16xf32> to vector<16xf32>
        %swap3A_357 = vector.shape_cast %max3A_352 : vector<16xf32> to vector<1x16xf32>
        tpu.vector_store %arg15[%swap3A_353, %swap3A_354], %swap3A_357 {strides = array<i32>} : memref<40x128xf32, #tpu.memory_space<vmem>>, vector<1x16xf32>,
        %get3A_358 = arith.index_cast %scan3A_274 : i32 to index
        %get3A_359 = arith.constant 80 : index
        %get3A_360 = tpu.vector_load %arg15[%get3A_358, %get3A_359] {strides = array<i32>} : memref<40x128xf32, #tpu.memory_space<vmem>>, vector<1x16xf32>,
        %get3A_361 = vector.shape_cast %get3A_360 : vector<1x16xf32> to vector<16xf32>
        %get3A_362 = arith.index_cast %scan3A_274 : i32 to index
        %get3A_363 = arith.constant 80 : index
        %get3A_364 = tpu.vector_load %arg12[%get3A_362, %get3A_363] {strides = array<i32>} : memref<40x128xf32, #tpu.memory_space<vmem>>, vector<1x16xf32>,
        %get3A_365 = vector.shape_cast %get3A_364 : vector<1x16xf32> to vector<16xf32>
        %add3A_366 = arith.addf %get3A_361, %get3A_365 : vector<16xf32>
        %max3A_367 = arith.constant 0.000000e+00 : f32
        %max3A_368 = vector.broadcast %max3A_367 : f32 to vector<16xf32>
        %max3A_369 = arith.maximumf %add3A_366, %max3A_368 : vector<16xf32>
        %swap3A_370 = arith.index_cast %scan3A_274 : i32 to index
        %swap3A_371 = arith.constant 80 : index
        %swap3A_372 = tpu.vector_load %arg15[%swap3A_370, %swap3A_371] {strides = array<i32>} : memref<40x128xf32, #tpu.memory_space<vmem>>, vector<1x16xf32>,
        %swap3A_373 = vector.shape_cast %swap3A_372 : vector<1x16xf32> to vector<16xf32>
        %swap3A_374 = vector.shape_cast %max3A_369 : vector<16xf32> to vector<1x16xf32>
        tpu.vector_store %arg15[%swap3A_370, %swap3A_371], %swap3A_374 {strides = array<i32>} : memref<40x128xf32, #tpu.memory_space<vmem>>, vector<1x16xf32>,
        %get3A_375 = arith.index_cast %scan3A_274 : i32 to index
        %get3A_376 = arith.constant 96 : index
        %get3A_377 = tpu.vector_load %arg15[%get3A_375, %get3A_376] {strides = array<i32>} : memref<40x128xf32, #tpu.memory_space<vmem>>, vector<1x16xf32>,
        %get3A_378 = vector.shape_cast %get3A_377 : vector<1x16xf32> to vector<16xf32>
        %get3A_379 = arith.index_cast %scan3A_274 : i32 to index
        %get3A_380 = arith.constant 96 : index
        %get3A_381 = tpu.vector_load %arg12[%get3A_379, %get3A_380] {strides = array<i32>} : memref<40x128xf32, #tpu.memory_space<vmem>>, vector<1x16xf32>,
        %get3A_382 = vector.shape_cast %get3A_381 : vector<1x16xf32> to vector<16xf32>
        %add3A_383 = arith.addf %get3A_378, %get3A_382 : vector<16xf32>
        %max3A_384 = arith.constant 0.000000e+00 : f32
        %max3A_385 = vector.broadcast %max3A_384 : f32 to vector<16xf32>
        %max3A_386 = arith.maximumf %add3A_383, %max3A_385 : vector<16xf32>
        %swap3A_387 = arith.index_cast %scan3A_274 : i32 to index
        %swap3A_388 = arith.constant 96 : index
        %swap3A_389 = tpu.vector_load %arg15[%swap3A_387, %swap3A_388] {strides = array<i32>} : memref<40x128xf32, #tpu.memory_space<vmem>>, vector<1x16xf32>,
        %swap3A_390 = vector.shape_cast %swap3A_389 : vector<1x16xf32> to vector<16xf32>
        %swap3A_391 = vector.shape_cast %max3A_386 : vector<16xf32> to vector<1x16xf32>
        tpu.vector_store %arg15[%swap3A_387, %swap3A_388], %swap3A_391 {strides = array<i32>} : memref<40x128xf32, #tpu.memory_space<vmem>>, vector<1x16xf32>,
        %get3A_392 = arith.index_cast %scan3A_274 : i32 to index
        %get3A_393 = arith.constant 112 : index
        %get3A_394 = tpu.vector_load %arg15[%get3A_392, %get3A_393] {strides = array<i32>} : memref<40x128xf32, #tpu.memory_space<vmem>>, vector<1x16xf32>,
        %get3A_395 = vector.shape_cast %get3A_394 : vector<1x16xf32> to vector<16xf32>
        %get3A_396 = arith.index_cast %scan3A_274 : i32 to index
        %get3A_397 = arith.constant 112 : index
        %get3A_398 = tpu.vector_load %arg12[%get3A_396, %get3A_397] {strides = array<i32>} : memref<40x128xf32, #tpu.memory_space<vmem>>, vector<1x16xf32>,
        %get3A_399 = vector.shape_cast %get3A_398 : vector<1x16xf32> to vector<16xf32>
        %add3A_400 = arith.addf %get3A_395, %get3A_399 : vector<16xf32>
        %max3A_401 = arith.constant 0.000000e+00 : f32
        %max3A_402 = vector.broadcast %max3A_401 : f32 to vector<16xf32>
        %max3A_403 = arith.maximumf %add3A_400, %max3A_402 : vector<16xf32>
        %swap3A_404 = arith.index_cast %scan3A_274 : i32 to index
        %swap3A_405 = arith.constant 112 : index
        %swap3A_406 = tpu.vector_load %arg15[%swap3A_404, %swap3A_405] {strides = array<i32>} : memref<40x128xf32, #tpu.memory_space<vmem>>, vector<1x16xf32>,
        %swap3A_407 = vector.shape_cast %swap3A_406 : vector<1x16xf32> to vector<16xf32>
        %swap3A_408 = vector.shape_cast %max3A_403 : vector<16xf32> to vector<1x16xf32>
        tpu.vector_store %arg15[%swap3A_404, %swap3A_405], %swap3A_408 {strides = array<i32>} : memref<40x128xf32, #tpu.memory_space<vmem>>, vector<1x16xf32>,
        %scan3A_409 = arith.constant 0 : i32
        scf.yield %scan3A_409 : i32
      }
      %scan3A_203 = arith.constant 40 : i32
      %mul3A_204 = arith.constant 40 : i32
      %mul3A_205 = arith.muli %add3A_154, %mul3A_204 : i32
      %add3A_206 = arith.addi %mul3A_6, %mul3A_205 : i32
      %dma_wait3A_207 = tpu.memref_slice %arg5[%add3A_206] : memref<320000xi32, #tpu.memory_space<hbm>> -> memref<40xi32, #tpu.memory_space<hbm>>
      %dma_wait3A_208 = tpu.memref_slice %arg5[%add3A_206] : memref<320000xi32, #tpu.memory_space<hbm>> -> memref<40xi32, #tpu.memory_space<hbm>>
      tpu.wait_dma2 semaphore(%arg24 : memref<!tpu.dma_semaphore, #tpu.memory_space<semaphore_mem>>) src(%dma_wait3A_208 : memref<40xi32, #tpu.memory_space<hbm>>) dst(%arg9 : memref<40xi32, #tpu.memory_space<vmem>>)
      %dma_start3A_209 = arith.constant 0 : i32
      %dma_start3A_210 = arith.constant 0 : i32
      %dma_start3A_211 = tpu.memref_slice %arg29[%dma_start3A_209, %dma_start3A_210] : memref<10000x128xf32, #tpu.memory_space<vmem_shared>> -> memref<10000x128xf32, #tpu.memory_space<vmem_shared>>
      tpu.enqueue_indirect_dma source(%arg15 : memref<40x128xf32, #tpu.memory_space<vmem>>) target(%dma_start3A_211 : memref<10000x128xf32, #tpu.memory_space<vmem_shared>>) offsets(%arg9 : memref<40xi32, #tpu.memory_space<vmem>>) semaphore(%arg27 : memref<!tpu.dma_semaphore, #tpu.memory_space<semaphore_mem>>) {add = true}
      %mul3A_212 = arith.constant 3 : i32
      %mul3A_213 = arith.muli %scan3A_91, %mul3A_212 : i32
      %add3A_214 = arith.constant 2 : i32
      %add3A_215 = arith.addi %mul3A_213, %add3A_214 : i32
      %ge3A_216 = arith.constant 2 : i32
      %ge3A_217 = arith.cmpi sge, %add3A_215, %ge3A_216 : i32
      %convert_element_type3A_218 = arith.extui %ge3A_217 : i1 to i32
      %cond3A_219 = arith.constant 0 : i32
      %cond3A_220 = arith.cmpi ne, %convert_element_type3A_218, %cond3A_219 : i32
      scf.if %cond3A_220 {
        %sub3A = arith.constant 2 : i32
        %sub3A_274 = arith.subi %add3A_215, %sub3A : i32
        %dma_wait3A_275 = arith.constant 0 : i32
        %dma_wait3A_276 = arith.constant 0 : i32
        %dma_wait3A_277 = tpu.memref_slice %arg29[%dma_wait3A_275, %dma_wait3A_276] : memref<10000x128xf32, #tpu.memory_space<vmem_shared>> -> memref<10000x128xf32, #tpu.memory_space<vmem_shared>>
        tpu.wait_indirect_dma semaphore(%arg26 : memref<!tpu.dma_semaphore, #tpu.memory_space<semaphore_mem>>) src(%arg14 : memref<40x128xf32, #tpu.memory_space<vmem>>) dst(%dma_wait3A_277 : memref<10000x128xf32, #tpu.memory_space<vmem_shared>>)
      } else {
      }
      %add3A_221 = arith.constant 1 : i32
      %add3A_222 = arith.addi %add3A_215, %add3A_221 : i32
      %mul3A_223 = arith.constant 40 : i32
      %mul3A_224 = arith.muli %add3A_222, %mul3A_223 : i32
      %add3A_225 = arith.addi %mul3A_6, %mul3A_224 : i32
      %dma_start3A_226 = arith.constant 0 : i32
      %dma_start3A_227 = tpu.memref_slice %arg3[%add3A_225, %dma_start3A_226] : memref<320000x128xf32, #tpu.memory_space<hbm>> -> memref<40x128xf32, #tpu.memory_space<hbm>>
      %dma_start3A_228 = arith.constant 0 : i32
      %dma_start3A_229 = tpu.memref_slice %arg3[%add3A_225, %dma_start3A_228] : memref<320000x128xf32, #tpu.memory_space<hbm>> -> memref<40x128xf32, #tpu.memory_space<hbm>>
      tpu.enqueue_dma source(%dma_start3A_229 : memref<40x128xf32, #tpu.memory_space<hbm>>) target(%arg11 : memref<40x128xf32, #tpu.memory_space<vmem>>) target_semaphore(%arg17 : memref<!tpu.dma_semaphore, #tpu.memory_space<semaphore_mem>>)
      %add3A_230 = arith.constant 1 : i32
      %add3A_231 = arith.addi %add3A_215, %add3A_230 : i32
      %mul3A_232 = arith.constant 40 : i32
      %mul3A_233 = arith.muli %add3A_231, %mul3A_232 : i32
      %dma_start3A_234 = tpu.memref_slice %arg7[%mul3A_233] : memref<10000xi32, #tpu.memory_space<vmem>> -> memref<40xi32, #tpu.memory_space<vmem>>
      %dma_start3A_235 = arith.constant 0 : i32
      %dma_start3A_236 = arith.constant 0 : i32
      %dma_start3A_237 = tpu.memref_slice %arg2[%dma_start3A_235, %dma_start3A_236] : memref<10000x128xf32, #tpu.memory_space<hbm>> -> memref<10000x128xf32, #tpu.memory_space<hbm>>
      tpu.enqueue_indirect_dma source(%dma_start3A_237 : memref<10000x128xf32, #tpu.memory_space<hbm>>) target(%arg14 : memref<40x128xf32, #tpu.memory_space<vmem>>) offsets(%dma_start3A_234 : memref<40xi32, #tpu.memory_space<vmem>>) semaphore(%arg20 : memref<!tpu.dma_semaphore, #tpu.memory_space<semaphore_mem>>)
      %add3A_238 = arith.constant 1 : i32
      %add3A_239 = arith.addi %add3A_215, %add3A_238 : i32
      %mul3A_240 = arith.constant 40 : i32
      %mul3A_241 = arith.muli %add3A_239, %mul3A_240 : i32
      %add3A_242 = arith.addi %mul3A_6, %mul3A_241 : i32
      %dma_start3A_243 = tpu.memref_slice %arg5[%add3A_242] : memref<320000xi32, #tpu.memory_space<hbm>> -> memref<40xi32, #tpu.memory_space<hbm>>
      %dma_start3A_244 = tpu.memref_slice %arg5[%add3A_242] : memref<320000xi32, #tpu.memory_space<hbm>> -> memref<40xi32, #tpu.memory_space<hbm>>
      tpu.enqueue_dma source(%dma_start3A_244 : memref<40xi32, #tpu.memory_space<hbm>>) target(%arg8 : memref<40xi32, #tpu.memory_space<vmem>>) target_semaphore(%arg23 : memref<!tpu.dma_semaphore, #tpu.memory_space<semaphore_mem>>)
      %mul3A_245 = arith.constant 40 : i32
      %mul3A_246 = arith.muli %add3A_215, %mul3A_245 : i32
      %add3A_247 = arith.addi %mul3A_6, %mul3A_246 : i32
      %dma_wait3A_248 = arith.constant 0 : i32
      %dma_wait3A_249 = tpu.memref_slice %arg3[%add3A_247, %dma_wait3A_248] : memref<320000x128xf32, #tpu.memory_space<hbm>> -> memref<40x128xf32, #tpu.memory_space<hbm>>
      %dma_wait3A_250 = arith.constant 0 : i32
      %dma_wait3A_251 = tpu.memref_slice %arg3[%add3A_247, %dma_wait3A_250] : memref<320000x128xf32, #tpu.memory_space<hbm>> -> memref<40x128xf32, #tpu.memory_space<hbm>>
      tpu.wait_dma2 semaphore(%arg19 : memref<!tpu.dma_semaphore, #tpu.memory_space<semaphore_mem>>) src(%dma_wait3A_251 : memref<40x128xf32, #tpu.memory_space<hbm>>) dst(%arg13 : memref<40x128xf32, #tpu.memory_space<vmem>>)
      %mul3A_252 = arith.constant 40 : i32
      %mul3A_253 = arith.muli %add3A_215, %mul3A_252 : i32
      %dma_wait3A_254 = tpu.memref_slice %arg7[%mul3A_253] : memref<10000xi32, #tpu.memory_space<vmem>> -> memref<40xi32, #tpu.memory_space<vmem>>
      %dma_wait3A_255 = arith.constant 0 : i32
      %dma_wait3A_256 = arith.constant 0 : i32
      %dma_wait3A_257 = tpu.memref_slice %arg2[%dma_wait3A_255, %dma_wait3A_256] : memref<10000x128xf32, #tpu.memory_space<hbm>> -> memref<10000x128xf32, #tpu.memory_space<hbm>>
      tpu.wait_indirect_dma semaphore(%arg22 : memref<!tpu.dma_semaphore, #tpu.memory_space<semaphore_mem>>) src(%dma_wait3A_257 : memref<10000x128xf32, #tpu.memory_space<hbm>>) dst(%arg16 : memref<40x128xf32, #tpu.memory_space<vmem>>)
      %scan3A_258 = arith.constant 0 : i32
      %scan3A_259 = arith.constant 0 : i32
      %scan3A_260 = arith.constant 40 : i32
      %scan3A_261 = arith.addi %scan3A_259, %scan3A_260 : i32
      %scan3A_262 = arith.constant 1 : i32
      %scan3A_263 = scf.for %scan3A_274 = %scan3A_259 to %scan3A_261 step %scan3A_262 iter_args(%scan3A_275 = %scan3A_258) -> (i32)  : i32 {
        %get3A = arith.index_cast %scan3A_274 : i32 to index
        %get3A_276 = arith.constant 0 : index
        %get3A_277 = tpu.vector_load %arg16[%get3A, %get3A_276] {strides = array<i32>} : memref<40x128xf32, #tpu.memory_space<vmem>>, vector<1x16xf32>,
        %get3A_278 = vector.shape_cast %get3A_277 : vector<1x16xf32> to vector<16xf32>
        %get3A_279 = arith.index_cast %scan3A_274 : i32 to index
        %get3A_280 = arith.constant 0 : index
        %get3A_281 = tpu.vector_load %arg13[%get3A_279, %get3A_280] {strides = array<i32>} : memref<40x128xf32, #tpu.memory_space<vmem>>, vector<1x16xf32>,
        %get3A_282 = vector.shape_cast %get3A_281 : vector<1x16xf32> to vector<16xf32>
        %add3A_283 = arith.addf %get3A_278, %get3A_282 : vector<16xf32>
        %max3A = arith.constant 0.000000e+00 : f32
        %max3A_284 = vector.broadcast %max3A : f32 to vector<16xf32>
        %max3A_285 = arith.maximumf %add3A_283, %max3A_284 : vector<16xf32>
        %swap3A = arith.index_cast %scan3A_274 : i32 to index
        %swap3A_286 = arith.constant 0 : index
        %swap3A_287 = tpu.vector_load %arg16[%swap3A, %swap3A_286] {strides = array<i32>} : memref<40x128xf32, #tpu.memory_space<vmem>>, vector<1x16xf32>,
        %swap3A_288 = vector.shape_cast %swap3A_287 : vector<1x16xf32> to vector<16xf32>
        %swap3A_289 = vector.shape_cast %max3A_285 : vector<16xf32> to vector<1x16xf32>
        tpu.vector_store %arg16[%swap3A, %swap3A_286], %swap3A_289 {strides = array<i32>} : memref<40x128xf32, #tpu.memory_space<vmem>>, vector<1x16xf32>,
        %get3A_290 = arith.index_cast %scan3A_274 : i32 to index
        %get3A_291 = arith.constant 16 : index
        %get3A_292 = tpu.vector_load %arg16[%get3A_290, %get3A_291] {strides = array<i32>} : memref<40x128xf32, #tpu.memory_space<vmem>>, vector<1x16xf32>,
        %get3A_293 = vector.shape_cast %get3A_292 : vector<1x16xf32> to vector<16xf32>
        %get3A_294 = arith.index_cast %scan3A_274 : i32 to index
        %get3A_295 = arith.constant 16 : index
        %get3A_296 = tpu.vector_load %arg13[%get3A_294, %get3A_295] {strides = array<i32>} : memref<40x128xf32, #tpu.memory_space<vmem>>, vector<1x16xf32>,
        %get3A_297 = vector.shape_cast %get3A_296 : vector<1x16xf32> to vector<16xf32>
        %add3A_298 = arith.addf %get3A_293, %get3A_297 : vector<16xf32>
        %max3A_299 = arith.constant 0.000000e+00 : f32
        %max3A_300 = vector.broadcast %max3A_299 : f32 to vector<16xf32>
        %max3A_301 = arith.maximumf %add3A_298, %max3A_300 : vector<16xf32>
        %swap3A_302 = arith.index_cast %scan3A_274 : i32 to index
        %swap3A_303 = arith.constant 16 : index
        %swap3A_304 = tpu.vector_load %arg16[%swap3A_302, %swap3A_303] {strides = array<i32>} : memref<40x128xf32, #tpu.memory_space<vmem>>, vector<1x16xf32>,
        %swap3A_305 = vector.shape_cast %swap3A_304 : vector<1x16xf32> to vector<16xf32>
        %swap3A_306 = vector.shape_cast %max3A_301 : vector<16xf32> to vector<1x16xf32>
        tpu.vector_store %arg16[%swap3A_302, %swap3A_303], %swap3A_306 {strides = array<i32>} : memref<40x128xf32, #tpu.memory_space<vmem>>, vector<1x16xf32>,
        %get3A_307 = arith.index_cast %scan3A_274 : i32 to index
        %get3A_308 = arith.constant 32 : index
        %get3A_309 = tpu.vector_load %arg16[%get3A_307, %get3A_308] {strides = array<i32>} : memref<40x128xf32, #tpu.memory_space<vmem>>, vector<1x16xf32>,
        %get3A_310 = vector.shape_cast %get3A_309 : vector<1x16xf32> to vector<16xf32>
        %get3A_311 = arith.index_cast %scan3A_274 : i32 to index
        %get3A_312 = arith.constant 32 : index
        %get3A_313 = tpu.vector_load %arg13[%get3A_311, %get3A_312] {strides = array<i32>} : memref<40x128xf32, #tpu.memory_space<vmem>>, vector<1x16xf32>,
        %get3A_314 = vector.shape_cast %get3A_313 : vector<1x16xf32> to vector<16xf32>
        %add3A_315 = arith.addf %get3A_310, %get3A_314 : vector<16xf32>
        %max3A_316 = arith.constant 0.000000e+00 : f32
        %max3A_317 = vector.broadcast %max3A_316 : f32 to vector<16xf32>
        %max3A_318 = arith.maximumf %add3A_315, %max3A_317 : vector<16xf32>
        %swap3A_319 = arith.index_cast %scan3A_274 : i32 to index
        %swap3A_320 = arith.constant 32 : index
        %swap3A_321 = tpu.vector_load %arg16[%swap3A_319, %swap3A_320] {strides = array<i32>} : memref<40x128xf32, #tpu.memory_space<vmem>>, vector<1x16xf32>,
        %swap3A_322 = vector.shape_cast %swap3A_321 : vector<1x16xf32> to vector<16xf32>
        %swap3A_323 = vector.shape_cast %max3A_318 : vector<16xf32> to vector<1x16xf32>
        tpu.vector_store %arg16[%swap3A_319, %swap3A_320], %swap3A_323 {strides = array<i32>} : memref<40x128xf32, #tpu.memory_space<vmem>>, vector<1x16xf32>,
        %get3A_324 = arith.index_cast %scan3A_274 : i32 to index
        %get3A_325 = arith.constant 48 : index
        %get3A_326 = tpu.vector_load %arg16[%get3A_324, %get3A_325] {strides = array<i32>} : memref<40x128xf32, #tpu.memory_space<vmem>>, vector<1x16xf32>,
        %get3A_327 = vector.shape_cast %get3A_326 : vector<1x16xf32> to vector<16xf32>
        %get3A_328 = arith.index_cast %scan3A_274 : i32 to index
        %get3A_329 = arith.constant 48 : index
        %get3A_330 = tpu.vector_load %arg13[%get3A_328, %get3A_329] {strides = array<i32>} : memref<40x128xf32, #tpu.memory_space<vmem>>, vector<1x16xf32>,
        %get3A_331 = vector.shape_cast %get3A_330 : vector<1x16xf32> to vector<16xf32>
        %add3A_332 = arith.addf %get3A_327, %get3A_331 : vector<16xf32>
        %max3A_333 = arith.constant 0.000000e+00 : f32
        %max3A_334 = vector.broadcast %max3A_333 : f32 to vector<16xf32>
        %max3A_335 = arith.maximumf %add3A_332, %max3A_334 : vector<16xf32>
        %swap3A_336 = arith.index_cast %scan3A_274 : i32 to index
        %swap3A_337 = arith.constant 48 : index
        %swap3A_338 = tpu.vector_load %arg16[%swap3A_336, %swap3A_337] {strides = array<i32>} : memref<40x128xf32, #tpu.memory_space<vmem>>, vector<1x16xf32>,
        %swap3A_339 = vector.shape_cast %swap3A_338 : vector<1x16xf32> to vector<16xf32>
        %swap3A_340 = vector.shape_cast %max3A_335 : vector<16xf32> to vector<1x16xf32>
        tpu.vector_store %arg16[%swap3A_336, %swap3A_337], %swap3A_340 {strides = array<i32>} : memref<40x128xf32, #tpu.memory_space<vmem>>, vector<1x16xf32>,
        %get3A_341 = arith.index_cast %scan3A_274 : i32 to index
        %get3A_342 = arith.constant 64 : index
        %get3A_343 = tpu.vector_load %arg16[%get3A_341, %get3A_342] {strides = array<i32>} : memref<40x128xf32, #tpu.memory_space<vmem>>, vector<1x16xf32>,
        %get3A_344 = vector.shape_cast %get3A_343 : vector<1x16xf32> to vector<16xf32>
        %get3A_345 = arith.index_cast %scan3A_274 : i32 to index
        %get3A_346 = arith.constant 64 : index
        %get3A_347 = tpu.vector_load %arg13[%get3A_345, %get3A_346] {strides = array<i32>} : memref<40x128xf32, #tpu.memory_space<vmem>>, vector<1x16xf32>,
        %get3A_348 = vector.shape_cast %get3A_347 : vector<1x16xf32> to vector<16xf32>
        %add3A_349 = arith.addf %get3A_344, %get3A_348 : vector<16xf32>
        %max3A_350 = arith.constant 0.000000e+00 : f32
        %max3A_351 = vector.broadcast %max3A_350 : f32 to vector<16xf32>
        %max3A_352 = arith.maximumf %add3A_349, %max3A_351 : vector<16xf32>
        %swap3A_353 = arith.index_cast %scan3A_274 : i32 to index
        %swap3A_354 = arith.constant 64 : index
        %swap3A_355 = tpu.vector_load %arg16[%swap3A_353, %swap3A_354] {strides = array<i32>} : memref<40x128xf32, #tpu.memory_space<vmem>>, vector<1x16xf32>,
        %swap3A_356 = vector.shape_cast %swap3A_355 : vector<1x16xf32> to vector<16xf32>
        %swap3A_357 = vector.shape_cast %max3A_352 : vector<16xf32> to vector<1x16xf32>
        tpu.vector_store %arg16[%swap3A_353, %swap3A_354], %swap3A_357 {strides = array<i32>} : memref<40x128xf32, #tpu.memory_space<vmem>>, vector<1x16xf32>,
        %get3A_358 = arith.index_cast %scan3A_274 : i32 to index
        %get3A_359 = arith.constant 80 : index
        %get3A_360 = tpu.vector_load %arg16[%get3A_358, %get3A_359] {strides = array<i32>} : memref<40x128xf32, #tpu.memory_space<vmem>>, vector<1x16xf32>,
        %get3A_361 = vector.shape_cast %get3A_360 : vector<1x16xf32> to vector<16xf32>
        %get3A_362 = arith.index_cast %scan3A_274 : i32 to index
        %get3A_363 = arith.constant 80 : index
        %get3A_364 = tpu.vector_load %arg13[%get3A_362, %get3A_363] {strides = array<i32>} : memref<40x128xf32, #tpu.memory_space<vmem>>, vector<1x16xf32>,
        %get3A_365 = vector.shape_cast %get3A_364 : vector<1x16xf32> to vector<16xf32>
        %add3A_366 = arith.addf %get3A_361, %get3A_365 : vector<16xf32>
        %max3A_367 = arith.constant 0.000000e+00 : f32
        %max3A_368 = vector.broadcast %max3A_367 : f32 to vector<16xf32>
        %max3A_369 = arith.maximumf %add3A_366, %max3A_368 : vector<16xf32>
        %swap3A_370 = arith.index_cast %scan3A_274 : i32 to index
        %swap3A_371 = arith.constant 80 : index
        %swap3A_372 = tpu.vector_load %arg16[%swap3A_370, %swap3A_371] {strides = array<i32>} : memref<40x128xf32, #tpu.memory_space<vmem>>, vector<1x16xf32>,
        %swap3A_373 = vector.shape_cast %swap3A_372 : vector<1x16xf32> to vector<16xf32>
        %swap3A_374 = vector.shape_cast %max3A_369 : vector<16xf32> to vector<1x16xf32>
        tpu.vector_store %arg16[%swap3A_370, %swap3A_371], %swap3A_374 {strides = array<i32>} : memref<40x128xf32, #tpu.memory_space<vmem>>, vector<1x16xf32>,
        %get3A_375 = arith.index_cast %scan3A_274 : i32 to index
        %get3A_376 = arith.constant 96 : index
        %get3A_377 = tpu.vector_load %arg16[%get3A_375, %get3A_376] {strides = array<i32>} : memref<40x128xf32, #tpu.memory_space<vmem>>, vector<1x16xf32>,
        %get3A_378 = vector.shape_cast %get3A_377 : vector<1x16xf32> to vector<16xf32>
        %get3A_379 = arith.index_cast %scan3A_274 : i32 to index
        %get3A_380 = arith.constant 96 : index
        %get3A_381 = tpu.vector_load %arg13[%get3A_379, %get3A_380] {strides = array<i32>} : memref<40x128xf32, #tpu.memory_space<vmem>>, vector<1x16xf32>,
        %get3A_382 = vector.shape_cast %get3A_381 : vector<1x16xf32> to vector<16xf32>
        %add3A_383 = arith.addf %get3A_378, %get3A_382 : vector<16xf32>
        %max3A_384 = arith.constant 0.000000e+00 : f32
        %max3A_385 = vector.broadcast %max3A_384 : f32 to vector<16xf32>
        %max3A_386 = arith.maximumf %add3A_383, %max3A_385 : vector<16xf32>
        %swap3A_387 = arith.index_cast %scan3A_274 : i32 to index
        %swap3A_388 = arith.constant 96 : index
        %swap3A_389 = tpu.vector_load %arg16[%swap3A_387, %swap3A_388] {strides = array<i32>} : memref<40x128xf32, #tpu.memory_space<vmem>>, vector<1x16xf32>,
        %swap3A_390 = vector.shape_cast %swap3A_389 : vector<1x16xf32> to vector<16xf32>
        %swap3A_391 = vector.shape_cast %max3A_386 : vector<16xf32> to vector<1x16xf32>
        tpu.vector_store %arg16[%swap3A_387, %swap3A_388], %swap3A_391 {strides = array<i32>} : memref<40x128xf32, #tpu.memory_space<vmem>>, vector<1x16xf32>,
        %get3A_392 = arith.index_cast %scan3A_274 : i32 to index
        %get3A_393 = arith.constant 112 : index
        %get3A_394 = tpu.vector_load %arg16[%get3A_392, %get3A_393] {strides = array<i32>} : memref<40x128xf32, #tpu.memory_space<vmem>>, vector<1x16xf32>,
        %get3A_395 = vector.shape_cast %get3A_394 : vector<1x16xf32> to vector<16xf32>
        %get3A_396 = arith.index_cast %scan3A_274 : i32 to index
        %get3A_397 = arith.constant 112 : index
        %get3A_398 = tpu.vector_load %arg13[%get3A_396, %get3A_397] {strides = array<i32>} : memref<40x128xf32, #tpu.memory_space<vmem>>, vector<1x16xf32>,
        %get3A_399 = vector.shape_cast %get3A_398 : vector<1x16xf32> to vector<16xf32>
        %add3A_400 = arith.addf %get3A_395, %get3A_399 : vector<16xf32>
        %max3A_401 = arith.constant 0.000000e+00 : f32
        %max3A_402 = vector.broadcast %max3A_401 : f32 to vector<16xf32>
        %max3A_403 = arith.maximumf %add3A_400, %max3A_402 : vector<16xf32>
        %swap3A_404 = arith.index_cast %scan3A_274 : i32 to index
        %swap3A_405 = arith.constant 112 : index
        %swap3A_406 = tpu.vector_load %arg16[%swap3A_404, %swap3A_405] {strides = array<i32>} : memref<40x128xf32, #tpu.memory_space<vmem>>, vector<1x16xf32>,
        %swap3A_407 = vector.shape_cast %swap3A_406 : vector<1x16xf32> to vector<16xf32>
        %swap3A_408 = vector.shape_cast %max3A_403 : vector<16xf32> to vector<1x16xf32>
        tpu.vector_store %arg16[%swap3A_404, %swap3A_405], %swap3A_408 {strides = array<i32>} : memref<40x128xf32, #tpu.memory_space<vmem>>, vector<1x16xf32>,
        %scan3A_409 = arith.constant 0 : i32
        scf.yield %scan3A_409 : i32
      }
      %scan3A_264 = arith.constant 40 : i32
      %mul3A_265 = arith.constant 40 : i32
      %mul3A_266 = arith.muli %add3A_215, %mul3A_265 : i32
      %add3A_267 = arith.addi %mul3A_6, %mul3A_266 : i32
      %dma_wait3A_268 = tpu.memref_slice %arg5[%add3A_267] : memref<320000xi32, #tpu.memory_space<hbm>> -> memref<40xi32, #tpu.memory_space<hbm>>
      %dma_wait3A_269 = tpu.memref_slice %arg5[%add3A_267] : memref<320000xi32, #tpu.memory_space<hbm>> -> memref<40xi32, #tpu.memory_space<hbm>>
      tpu.wait_dma2 semaphore(%arg25 : memref<!tpu.dma_semaphore, #tpu.memory_space<semaphore_mem>>) src(%dma_wait3A_269 : memref<40xi32, #tpu.memory_space<hbm>>) dst(%arg10 : memref<40xi32, #tpu.memory_space<vmem>>)
      %dma_start3A_270 = arith.constant 0 : i32
      %dma_start3A_271 = arith.constant 0 : i32
      %dma_start3A_272 = tpu.memref_slice %arg29[%dma_start3A_270, %dma_start3A_271] : memref<10000x128xf32, #tpu.memory_space<vmem_shared>> -> memref<10000x128xf32, #tpu.memory_space<vmem_shared>>
      tpu.enqueue_indirect_dma source(%arg16 : memref<40x128xf32, #tpu.memory_space<vmem>>) target(%dma_start3A_272 : memref<10000x128xf32, #tpu.memory_space<vmem_shared>>) offsets(%arg10 : memref<40xi32, #tpu.memory_space<vmem>>) semaphore(%arg28 : memref<!tpu.dma_semaphore, #tpu.memory_space<semaphore_mem>>) {add = true}
      %scan3A_273 = arith.constant 0 : i32
      scf.yield %scan3A_273 : i32
    }
    %scan3A_44 = arith.constant 83 : i32
    %dma_wait3A = arith.constant 0 : i32
    %dma_wait3A_45 = arith.constant 0 : i32
    %dma_wait3A_46 = tpu.memref_slice %arg29[%dma_wait3A, %dma_wait3A_45] : memref<10000x128xf32, #tpu.memory_space<vmem_shared>> -> memref<10000x128xf32, #tpu.memory_space<vmem_shared>>
    tpu.wait_indirect_dma semaphore(%arg27 : memref<!tpu.dma_semaphore, #tpu.memory_space<semaphore_mem>>) src(%arg15 : memref<40x128xf32, #tpu.memory_space<vmem>>) dst(%dma_wait3A_46 : memref<10000x128xf32, #tpu.memory_space<vmem_shared>>)
    %add3A_47 = arith.constant 9960 : i32
    %add3A_48 = arith.addi %mul3A_6, %add3A_47 : i32
    %dma_wait3A_49 = arith.constant 0 : i32
    %dma_wait3A_50 = tpu.memref_slice %arg3[%add3A_48, %dma_wait3A_49] : memref<320000x128xf32, #tpu.memory_space<hbm>> -> memref<40x128xf32, #tpu.memory_space<hbm>>
    %dma_wait3A_51 = arith.constant 0 : i32
    %dma_wait3A_52 = tpu.memref_slice %arg3[%add3A_48, %dma_wait3A_51] : memref<320000x128xf32, #tpu.memory_space<hbm>> -> memref<40x128xf32, #tpu.memory_space<hbm>>
    tpu.wait_dma2 semaphore(%arg17 : memref<!tpu.dma_semaphore, #tpu.memory_space<semaphore_mem>>) src(%dma_wait3A_52 : memref<40x128xf32, #tpu.memory_space<hbm>>) dst(%arg11 : memref<40x128xf32, #tpu.memory_space<vmem>>)
    %dma_wait3A_53 = arith.constant 9960 : i32
    %dma_wait3A_54 = tpu.memref_slice %arg7[%dma_wait3A_53] : memref<10000xi32, #tpu.memory_space<vmem>> -> memref<40xi32, #tpu.memory_space<vmem>>
    %dma_wait3A_55 = arith.constant 0 : i32
    %dma_wait3A_56 = arith.constant 0 : i32
    %dma_wait3A_57 = tpu.memref_slice %arg2[%dma_wait3A_55, %dma_wait3A_56] : memref<10000x128xf32, #tpu.memory_space<hbm>> -> memref<10000x128xf32, #tpu.memory_space<hbm>>
    tpu.wait_indirect_dma semaphore(%arg20 : memref<!tpu.dma_semaphore, #tpu.memory_space<semaphore_mem>>) src(%dma_wait3A_57 : memref<10000x128xf32, #tpu.memory_space<hbm>>) dst(%arg14 : memref<40x128xf32, #tpu.memory_space<vmem>>)
    %scan3A_58 = arith.constant 0 : i32
    %scan3A_59 = arith.constant 0 : i32
    %scan3A_60 = arith.constant 40 : i32
    %scan3A_61 = arith.addi %scan3A_59, %scan3A_60 : i32
    %scan3A_62 = arith.constant 1 : i32
    %scan3A_63 = scf.for %scan3A_91 = %scan3A_59 to %scan3A_61 step %scan3A_62 iter_args(%scan3A_92 = %scan3A_58) -> (i32)  : i32 {
      %get3A = arith.index_cast %scan3A_91 : i32 to index
      %get3A_93 = arith.constant 0 : index
      %get3A_94 = tpu.vector_load %arg14[%get3A, %get3A_93] {strides = array<i32>} : memref<40x128xf32, #tpu.memory_space<vmem>>, vector<1x16xf32>,
      %get3A_95 = vector.shape_cast %get3A_94 : vector<1x16xf32> to vector<16xf32>
      %get3A_96 = arith.index_cast %scan3A_91 : i32 to index
      %get3A_97 = arith.constant 0 : index
      %get3A_98 = tpu.vector_load %arg11[%get3A_96, %get3A_97] {strides = array<i32>} : memref<40x128xf32, #tpu.memory_space<vmem>>, vector<1x16xf32>,
      %get3A_99 = vector.shape_cast %get3A_98 : vector<1x16xf32> to vector<16xf32>
      %add3A_100 = arith.addf %get3A_95, %get3A_99 : vector<16xf32>
      %max3A = arith.constant 0.000000e+00 : f32
      %max3A_101 = vector.broadcast %max3A : f32 to vector<16xf32>
      %max3A_102 = arith.maximumf %add3A_100, %max3A_101 : vector<16xf32>
      %swap3A = arith.index_cast %scan3A_91 : i32 to index
      %swap3A_103 = arith.constant 0 : index
      %swap3A_104 = tpu.vector_load %arg14[%swap3A, %swap3A_103] {strides = array<i32>} : memref<40x128xf32, #tpu.memory_space<vmem>>, vector<1x16xf32>,
      %swap3A_105 = vector.shape_cast %swap3A_104 : vector<1x16xf32> to vector<16xf32>
      %swap3A_106 = vector.shape_cast %max3A_102 : vector<16xf32> to vector<1x16xf32>
      tpu.vector_store %arg14[%swap3A, %swap3A_103], %swap3A_106 {strides = array<i32>} : memref<40x128xf32, #tpu.memory_space<vmem>>, vector<1x16xf32>,
      %get3A_107 = arith.index_cast %scan3A_91 : i32 to index
      %get3A_108 = arith.constant 16 : index
      %get3A_109 = tpu.vector_load %arg14[%get3A_107, %get3A_108] {strides = array<i32>} : memref<40x128xf32, #tpu.memory_space<vmem>>, vector<1x16xf32>,
      %get3A_110 = vector.shape_cast %get3A_109 : vector<1x16xf32> to vector<16xf32>
      %get3A_111 = arith.index_cast %scan3A_91 : i32 to index
      %get3A_112 = arith.constant 16 : index
      %get3A_113 = tpu.vector_load %arg11[%get3A_111, %get3A_112] {strides = array<i32>} : memref<40x128xf32, #tpu.memory_space<vmem>>, vector<1x16xf32>,
      %get3A_114 = vector.shape_cast %get3A_113 : vector<1x16xf32> to vector<16xf32>
      %add3A_115 = arith.addf %get3A_110, %get3A_114 : vector<16xf32>
      %max3A_116 = arith.constant 0.000000e+00 : f32
      %max3A_117 = vector.broadcast %max3A_116 : f32 to vector<16xf32>
      %max3A_118 = arith.maximumf %add3A_115, %max3A_117 : vector<16xf32>
      %swap3A_119 = arith.index_cast %scan3A_91 : i32 to index
      %swap3A_120 = arith.constant 16 : index
      %swap3A_121 = tpu.vector_load %arg14[%swap3A_119, %swap3A_120] {strides = array<i32>} : memref<40x128xf32, #tpu.memory_space<vmem>>, vector<1x16xf32>,
      %swap3A_122 = vector.shape_cast %swap3A_121 : vector<1x16xf32> to vector<16xf32>
      %swap3A_123 = vector.shape_cast %max3A_118 : vector<16xf32> to vector<1x16xf32>
      tpu.vector_store %arg14[%swap3A_119, %swap3A_120], %swap3A_123 {strides = array<i32>} : memref<40x128xf32, #tpu.memory_space<vmem>>, vector<1x16xf32>,
      %get3A_124 = arith.index_cast %scan3A_91 : i32 to index
      %get3A_125 = arith.constant 32 : index
      %get3A_126 = tpu.vector_load %arg14[%get3A_124, %get3A_125] {strides = array<i32>} : memref<40x128xf32, #tpu.memory_space<vmem>>, vector<1x16xf32>,
      %get3A_127 = vector.shape_cast %get3A_126 : vector<1x16xf32> to vector<16xf32>
      %get3A_128 = arith.index_cast %scan3A_91 : i32 to index
      %get3A_129 = arith.constant 32 : index
      %get3A_130 = tpu.vector_load %arg11[%get3A_128, %get3A_129] {strides = array<i32>} : memref<40x128xf32, #tpu.memory_space<vmem>>, vector<1x16xf32>,
      %get3A_131 = vector.shape_cast %get3A_130 : vector<1x16xf32> to vector<16xf32>
      %add3A_132 = arith.addf %get3A_127, %get3A_131 : vector<16xf32>
      %max3A_133 = arith.constant 0.000000e+00 : f32
      %max3A_134 = vector.broadcast %max3A_133 : f32 to vector<16xf32>
      %max3A_135 = arith.maximumf %add3A_132, %max3A_134 : vector<16xf32>
      %swap3A_136 = arith.index_cast %scan3A_91 : i32 to index
      %swap3A_137 = arith.constant 32 : index
      %swap3A_138 = tpu.vector_load %arg14[%swap3A_136, %swap3A_137] {strides = array<i32>} : memref<40x128xf32, #tpu.memory_space<vmem>>, vector<1x16xf32>,
      %swap3A_139 = vector.shape_cast %swap3A_138 : vector<1x16xf32> to vector<16xf32>
      %swap3A_140 = vector.shape_cast %max3A_135 : vector<16xf32> to vector<1x16xf32>
      tpu.vector_store %arg14[%swap3A_136, %swap3A_137], %swap3A_140 {strides = array<i32>} : memref<40x128xf32, #tpu.memory_space<vmem>>, vector<1x16xf32>,
      %get3A_141 = arith.index_cast %scan3A_91 : i32 to index
      %get3A_142 = arith.constant 48 : index
      %get3A_143 = tpu.vector_load %arg14[%get3A_141, %get3A_142] {strides = array<i32>} : memref<40x128xf32, #tpu.memory_space<vmem>>, vector<1x16xf32>,
      %get3A_144 = vector.shape_cast %get3A_143 : vector<1x16xf32> to vector<16xf32>
      %get3A_145 = arith.index_cast %scan3A_91 : i32 to index
      %get3A_146 = arith.constant 48 : index
      %get3A_147 = tpu.vector_load %arg11[%get3A_145, %get3A_146] {strides = array<i32>} : memref<40x128xf32, #tpu.memory_space<vmem>>, vector<1x16xf32>,
      %get3A_148 = vector.shape_cast %get3A_147 : vector<1x16xf32> to vector<16xf32>
      %add3A_149 = arith.addf %get3A_144, %get3A_148 : vector<16xf32>
      %max3A_150 = arith.constant 0.000000e+00 : f32
      %max3A_151 = vector.broadcast %max3A_150 : f32 to vector<16xf32>
      %max3A_152 = arith.maximumf %add3A_149, %max3A_151 : vector<16xf32>
      %swap3A_153 = arith.index_cast %scan3A_91 : i32 to index
      %swap3A_154 = arith.constant 48 : index
      %swap3A_155 = tpu.vector_load %arg14[%swap3A_153, %swap3A_154] {strides = array<i32>} : memref<40x128xf32, #tpu.memory_space<vmem>>, vector<1x16xf32>,
      %swap3A_156 = vector.shape_cast %swap3A_155 : vector<1x16xf32> to vector<16xf32>
      %swap3A_157 = vector.shape_cast %max3A_152 : vector<16xf32> to vector<1x16xf32>
      tpu.vector_store %arg14[%swap3A_153, %swap3A_154], %swap3A_157 {strides = array<i32>} : memref<40x128xf32, #tpu.memory_space<vmem>>, vector<1x16xf32>,
      %get3A_158 = arith.index_cast %scan3A_91 : i32 to index
      %get3A_159 = arith.constant 64 : index
      %get3A_160 = tpu.vector_load %arg14[%get3A_158, %get3A_159] {strides = array<i32>} : memref<40x128xf32, #tpu.memory_space<vmem>>, vector<1x16xf32>,
      %get3A_161 = vector.shape_cast %get3A_160 : vector<1x16xf32> to vector<16xf32>
      %get3A_162 = arith.index_cast %scan3A_91 : i32 to index
      %get3A_163 = arith.constant 64 : index
      %get3A_164 = tpu.vector_load %arg11[%get3A_162, %get3A_163] {strides = array<i32>} : memref<40x128xf32, #tpu.memory_space<vmem>>, vector<1x16xf32>,
      %get3A_165 = vector.shape_cast %get3A_164 : vector<1x16xf32> to vector<16xf32>
      %add3A_166 = arith.addf %get3A_161, %get3A_165 : vector<16xf32>
      %max3A_167 = arith.constant 0.000000e+00 : f32
      %max3A_168 = vector.broadcast %max3A_167 : f32 to vector<16xf32>
      %max3A_169 = arith.maximumf %add3A_166, %max3A_168 : vector<16xf32>
      %swap3A_170 = arith.index_cast %scan3A_91 : i32 to index
      %swap3A_171 = arith.constant 64 : index
      %swap3A_172 = tpu.vector_load %arg14[%swap3A_170, %swap3A_171] {strides = array<i32>} : memref<40x128xf32, #tpu.memory_space<vmem>>, vector<1x16xf32>,
      %swap3A_173 = vector.shape_cast %swap3A_172 : vector<1x16xf32> to vector<16xf32>
      %swap3A_174 = vector.shape_cast %max3A_169 : vector<16xf32> to vector<1x16xf32>
      tpu.vector_store %arg14[%swap3A_170, %swap3A_171], %swap3A_174 {strides = array<i32>} : memref<40x128xf32, #tpu.memory_space<vmem>>, vector<1x16xf32>,
      %get3A_175 = arith.index_cast %scan3A_91 : i32 to index
      %get3A_176 = arith.constant 80 : index
      %get3A_177 = tpu.vector_load %arg14[%get3A_175, %get3A_176] {strides = array<i32>} : memref<40x128xf32, #tpu.memory_space<vmem>>, vector<1x16xf32>,
      %get3A_178 = vector.shape_cast %get3A_177 : vector<1x16xf32> to vector<16xf32>
      %get3A_179 = arith.index_cast %scan3A_91 : i32 to index
      %get3A_180 = arith.constant 80 : index
      %get3A_181 = tpu.vector_load %arg11[%get3A_179, %get3A_180] {strides = array<i32>} : memref<40x128xf32, #tpu.memory_space<vmem>>, vector<1x16xf32>,
      %get3A_182 = vector.shape_cast %get3A_181 : vector<1x16xf32> to vector<16xf32>
      %add3A_183 = arith.addf %get3A_178, %get3A_182 : vector<16xf32>
      %max3A_184 = arith.constant 0.000000e+00 : f32
      %max3A_185 = vector.broadcast %max3A_184 : f32 to vector<16xf32>
      %max3A_186 = arith.maximumf %add3A_183, %max3A_185 : vector<16xf32>
      %swap3A_187 = arith.index_cast %scan3A_91 : i32 to index
      %swap3A_188 = arith.constant 80 : index
      %swap3A_189 = tpu.vector_load %arg14[%swap3A_187, %swap3A_188] {strides = array<i32>} : memref<40x128xf32, #tpu.memory_space<vmem>>, vector<1x16xf32>,
      %swap3A_190 = vector.shape_cast %swap3A_189 : vector<1x16xf32> to vector<16xf32>
      %swap3A_191 = vector.shape_cast %max3A_186 : vector<16xf32> to vector<1x16xf32>
      tpu.vector_store %arg14[%swap3A_187, %swap3A_188], %swap3A_191 {strides = array<i32>} : memref<40x128xf32, #tpu.memory_space<vmem>>, vector<1x16xf32>,
      %get3A_192 = arith.index_cast %scan3A_91 : i32 to index
      %get3A_193 = arith.constant 96 : index
      %get3A_194 = tpu.vector_load %arg14[%get3A_192, %get3A_193] {strides = array<i32>} : memref<40x128xf32, #tpu.memory_space<vmem>>, vector<1x16xf32>,
      %get3A_195 = vector.shape_cast %get3A_194 : vector<1x16xf32> to vector<16xf32>
      %get3A_196 = arith.index_cast %scan3A_91 : i32 to index
      %get3A_197 = arith.constant 96 : index
      %get3A_198 = tpu.vector_load %arg11[%get3A_196, %get3A_197] {strides = array<i32>} : memref<40x128xf32, #tpu.memory_space<vmem>>, vector<1x16xf32>,
      %get3A_199 = vector.shape_cast %get3A_198 : vector<1x16xf32> to vector<16xf32>
      %add3A_200 = arith.addf %get3A_195, %get3A_199 : vector<16xf32>
      %max3A_201 = arith.constant 0.000000e+00 : f32
      %max3A_202 = vector.broadcast %max3A_201 : f32 to vector<16xf32>
      %max3A_203 = arith.maximumf %add3A_200, %max3A_202 : vector<16xf32>
      %swap3A_204 = arith.index_cast %scan3A_91 : i32 to index
      %swap3A_205 = arith.constant 96 : index
      %swap3A_206 = tpu.vector_load %arg14[%swap3A_204, %swap3A_205] {strides = array<i32>} : memref<40x128xf32, #tpu.memory_space<vmem>>, vector<1x16xf32>,
      %swap3A_207 = vector.shape_cast %swap3A_206 : vector<1x16xf32> to vector<16xf32>
      %swap3A_208 = vector.shape_cast %max3A_203 : vector<16xf32> to vector<1x16xf32>
      tpu.vector_store %arg14[%swap3A_204, %swap3A_205], %swap3A_208 {strides = array<i32>} : memref<40x128xf32, #tpu.memory_space<vmem>>, vector<1x16xf32>,
      %get3A_209 = arith.index_cast %scan3A_91 : i32 to index
      %get3A_210 = arith.constant 112 : index
      %get3A_211 = tpu.vector_load %arg14[%get3A_209, %get3A_210] {strides = array<i32>} : memref<40x128xf32, #tpu.memory_space<vmem>>, vector<1x16xf32>,
      %get3A_212 = vector.shape_cast %get3A_211 : vector<1x16xf32> to vector<16xf32>
      %get3A_213 = arith.index_cast %scan3A_91 : i32 to index
      %get3A_214 = arith.constant 112 : index
      %get3A_215 = tpu.vector_load %arg11[%get3A_213, %get3A_214] {strides = array<i32>} : memref<40x128xf32, #tpu.memory_space<vmem>>, vector<1x16xf32>,
      %get3A_216 = vector.shape_cast %get3A_215 : vector<1x16xf32> to vector<16xf32>
      %add3A_217 = arith.addf %get3A_212, %get3A_216 : vector<16xf32>
      %max3A_218 = arith.constant 0.000000e+00 : f32
      %max3A_219 = vector.broadcast %max3A_218 : f32 to vector<16xf32>
      %max3A_220 = arith.maximumf %add3A_217, %max3A_219 : vector<16xf32>
      %swap3A_221 = arith.index_cast %scan3A_91 : i32 to index
      %swap3A_222 = arith.constant 112 : index
      %swap3A_223 = tpu.vector_load %arg14[%swap3A_221, %swap3A_222] {strides = array<i32>} : memref<40x128xf32, #tpu.memory_space<vmem>>, vector<1x16xf32>,
      %swap3A_224 = vector.shape_cast %swap3A_223 : vector<1x16xf32> to vector<16xf32>
      %swap3A_225 = vector.shape_cast %max3A_220 : vector<16xf32> to vector<1x16xf32>
      tpu.vector_store %arg14[%swap3A_221, %swap3A_222], %swap3A_225 {strides = array<i32>} : memref<40x128xf32, #tpu.memory_space<vmem>>, vector<1x16xf32>,
      %scan3A_226 = arith.constant 0 : i32
      scf.yield %scan3A_226 : i32
    }
    %scan3A_64 = arith.constant 40 : i32
    %add3A_65 = arith.constant 9960 : i32
    %add3A_66 = arith.addi %mul3A_6, %add3A_65 : i32
    %dma_wait3A_67 = tpu.memref_slice %arg5[%add3A_66] : memref<320000xi32, #tpu.memory_space<hbm>> -> memref<40xi32, #tpu.memory_space<hbm>>
    %dma_wait3A_68 = tpu.memref_slice %arg5[%add3A_66] : memref<320000xi32, #tpu.memory_space<hbm>> -> memref<40xi32, #tpu.memory_space<hbm>>
    tpu.wait_dma2 semaphore(%arg23 : memref<!tpu.dma_semaphore, #tpu.memory_space<semaphore_mem>>) src(%dma_wait3A_68 : memref<40xi32, #tpu.memory_space<hbm>>) dst(%arg8 : memref<40xi32, #tpu.memory_space<vmem>>)
    %dma_start3A_69 = arith.constant 0 : i32
    %dma_start3A_70 = arith.constant 0 : i32
    %dma_start3A_71 = tpu.memref_slice %arg29[%dma_start3A_69, %dma_start3A_70] : memref<10000x128xf32, #tpu.memory_space<vmem_shared>> -> memref<10000x128xf32, #tpu.memory_space<vmem_shared>>
    tpu.enqueue_indirect_dma source(%arg14 : memref<40x128xf32, #tpu.memory_space<vmem>>) target(%dma_start3A_71 : memref<10000x128xf32, #tpu.memory_space<vmem_shared>>) offsets(%arg8 : memref<40xi32, #tpu.memory_space<vmem>>) semaphore(%arg26 : memref<!tpu.dma_semaphore, #tpu.memory_space<semaphore_mem>>) {add = true}
    %dma_wait3A_72 = arith.constant 0 : i32
    %dma_wait3A_73 = arith.constant 0 : i32
    %dma_wait3A_74 = tpu.memref_slice %arg29[%dma_wait3A_72, %dma_wait3A_73] : memref<10000x128xf32, #tpu.memory_space<vmem_shared>> -> memref<10000x128xf32, #tpu.memory_space<vmem_shared>>
    tpu.wait_indirect_dma semaphore(%arg28 : memref<!tpu.dma_semaphore, #tpu.memory_space<semaphore_mem>>) src(%arg16 : memref<40x128xf32, #tpu.memory_space<vmem>>) dst(%dma_wait3A_74 : memref<10000x128xf32, #tpu.memory_space<vmem_shared>>)
    %dma_wait3A_75 = arith.constant 0 : i32
    %dma_wait3A_76 = arith.constant 0 : i32
    %dma_wait3A_77 = tpu.memref_slice %arg29[%dma_wait3A_75, %dma_wait3A_76] : memref<10000x128xf32, #tpu.memory_space<vmem_shared>> -> memref<10000x128xf32, #tpu.memory_space<vmem_shared>>
    tpu.wait_indirect_dma semaphore(%arg26 : memref<!tpu.dma_semaphore, #tpu.memory_space<semaphore_mem>>) src(%arg14 : memref<40x128xf32, #tpu.memory_space<vmem>>) dst(%dma_wait3A_77 : memref<10000x128xf32, #tpu.memory_space<vmem_shared>>)
    %barrier3A_78 = arith.constant 0 : index
    tpu.barrier barrier_id(%barrier3A_78)
    %while3A_79 = arith.constant 0 : i32
    %while3A_80 = arith.constant 0 : i32
    %while3A_81 = arith.subi %select_n3A, %while3A_79 : i32
    %while3A_82 = arith.addi %while3A_79, %while3A_81 : i32
    %while3A_83 = arith.constant 1 : i32
    %while3A_84 = arith.divsi %while3A_81, %while3A_83 : i32
    %while3A_85 = arith.muli %while3A_84, %while3A_83 : i32
    %while3A_86 = arith.addi %while3A_79, %while3A_85 : i32
    %while3A_87 = arith.constant 1 : i32
    %while3A_88 = scf.for %while3A_91 = %while3A_79 to %while3A_86 step %while3A_87 iter_args(%while3A_92 = %while3A_80) -> (i32)  : i32 {
      %mul3A_93 = arith.constant 40 : i32
      %mul3A_94 = arith.muli %while3A_91, %mul3A_93 : i32
      %add3A_95 = arith.addi %mul3A_2, %mul3A_94 : i32
      "tpu.region"() ({
        %run_scoped3A = tpu.sem_alloc : memref<!tpu.dma_semaphore, #tpu.memory_space<semaphore_mem>>
        %dma_start3A_97 = arith.constant 0 : i32
        %dma_start3A_98 = tpu.memref_slice %arg29[%add3A_95, %dma_start3A_97] : memref<10000x128xf32, #tpu.memory_space<vmem_shared>> -> memref<40x128xf32, #tpu.memory_space<vmem_shared>>
        %dma_start3A_99 = arith.constant 0 : i32
        %dma_start3A_100 = tpu.memref_slice %arg29[%add3A_95, %dma_start3A_99] : memref<10000x128xf32, #tpu.memory_space<vmem_shared>> -> memref<40x128xf32, #tpu.memory_space<vmem_shared>>
        tpu.enqueue_dma source(%dma_start3A_100 : memref<40x128xf32, #tpu.memory_space<vmem_shared>>) target(%arg14 : memref<40x128xf32, #tpu.memory_space<vmem>>) target_semaphore(%run_scoped3A : memref<!tpu.dma_semaphore, #tpu.memory_space<semaphore_mem>>)
        %dma_wait3A_101 = arith.constant 0 : i32
        %dma_wait3A_102 = tpu.memref_slice %arg29[%add3A_95, %dma_wait3A_101] : memref<10000x128xf32, #tpu.memory_space<vmem_shared>> -> memref<40x128xf32, #tpu.memory_space<vmem_shared>>
        %dma_wait3A_103 = arith.constant 0 : i32
        %dma_wait3A_104 = tpu.memref_slice %arg29[%add3A_95, %dma_wait3A_103] : memref<10000x128xf32, #tpu.memory_space<vmem_shared>> -> memref<40x128xf32, #tpu.memory_space<vmem_shared>>
        tpu.wait_dma2 semaphore(%run_scoped3A : memref<!tpu.dma_semaphore, #tpu.memory_space<semaphore_mem>>) src(%dma_wait3A_104 : memref<40x128xf32, #tpu.memory_space<vmem_shared>>) dst(%arg14 : memref<40x128xf32, #tpu.memory_space<vmem>>)
        tpu.yield
      }) : () -> ()
      "tpu.region"() ({
        %run_scoped3A = tpu.sem_alloc : memref<!tpu.dma_semaphore, #tpu.memory_space<semaphore_mem>>
        %dma_start3A_97 = arith.constant 0 : i32
        %dma_start3A_98 = tpu.memref_slice %arg6[%arg0, %add3A_95, %dma_start3A_97] : memref<2x10000x128xf32, #tpu.memory_space<hbm>> -> memref<1x40x128xf32, #tpu.memory_space<hbm>>
        %dma_start3A_99 = tpu.memref_squeeze %dma_start3A_98 : memref<1x40x128xf32, #tpu.memory_space<hbm>> -> memref<40x128xf32, #tpu.memory_space<hbm>>
        %dma_start3A_100 = arith.constant 0 : i32
        %dma_start3A_101 = tpu.memref_slice %arg6[%arg0, %add3A_95, %dma_start3A_100] : memref<2x10000x128xf32, #tpu.memory_space<hbm>> -> memref<1x40x128xf32, #tpu.memory_space<hbm>>
        %dma_start3A_102 = tpu.memref_squeeze %dma_start3A_101 : memref<1x40x128xf32, #tpu.memory_space<hbm>> -> memref<40x128xf32, #tpu.memory_space<hbm>>
        tpu.enqueue_dma source(%arg14 : memref<40x128xf32, #tpu.memory_space<vmem>>) target(%dma_start3A_102 : memref<40x128xf32, #tpu.memory_space<hbm>>) target_semaphore(%run_scoped3A : memref<!tpu.dma_semaphore, #tpu.memory_space<semaphore_mem>>)
        %dma_wait3A_103 = arith.constant 0 : i32
        %dma_wait3A_104 = tpu.memref_slice %arg6[%arg0, %add3A_95, %dma_wait3A_103] : memref<2x10000x128xf32, #tpu.memory_space<hbm>> -> memref<1x40x128xf32, #tpu.memory_space<hbm>>
        %dma_wait3A_105 = tpu.memref_squeeze %dma_wait3A_104 : memref<1x40x128xf32, #tpu.memory_space<hbm>> -> memref<40x128xf32, #tpu.memory_space<hbm>>
        %dma_wait3A_106 = arith.constant 0 : i32
        %dma_wait3A_107 = tpu.memref_slice %arg6[%arg0, %add3A_95, %dma_wait3A_106] : memref<2x10000x128xf32, #tpu.memory_space<hbm>> -> memref<1x40x128xf32, #tpu.memory_space<hbm>>
        %dma_wait3A_108 = tpu.memref_squeeze %dma_wait3A_107 : memref<1x40x128xf32, #tpu.memory_space<hbm>> -> memref<40x128xf32, #tpu.memory_space<hbm>>
        tpu.wait_dma2 semaphore(%run_scoped3A : memref<!tpu.dma_semaphore, #tpu.memory_space<semaphore_mem>>) src(%arg14 : memref<40x128xf32, #tpu.memory_space<vmem>>) dst(%dma_wait3A_108 : memref<40x128xf32, #tpu.memory_space<hbm>>)
        tpu.yield
      }) : () -> ()
      %while3A_96 = arith.constant 0 : i32
      scf.yield %while3A_96 : i32
    }
    %while3A_89 = arith.constant 1 : i32
    %while3A_90 = scf.for %while3A_91 = %while3A_86 to %while3A_82 step %while3A_89 iter_args(%while3A_92 = %while3A_88) -> (i32)  : i32 {
      %mul3A_93 = arith.constant 40 : i32
      %mul3A_94 = arith.muli %while3A_91, %mul3A_93 : i32
      %add3A_95 = arith.addi %mul3A_2, %mul3A_94 : i32
      "tpu.region"() ({
        %run_scoped3A = tpu.sem_alloc : memref<!tpu.dma_semaphore, #tpu.memory_space<semaphore_mem>>
        %dma_start3A_97 = arith.constant 0 : i32
        %dma_start3A_98 = tpu.memref_slice %arg29[%add3A_95, %dma_start3A_97] : memref<10000x128xf32, #tpu.memory_space<vmem_shared>> -> memref<40x128xf32, #tpu.memory_space<vmem_shared>>
        %dma_start3A_99 = arith.constant 0 : i32
        %dma_start3A_100 = tpu.memref_slice %arg29[%add3A_95, %dma_start3A_99] : memref<10000x128xf32, #tpu.memory_space<vmem_shared>> -> memref<40x128xf32, #tpu.memory_space<vmem_shared>>
        tpu.enqueue_dma source(%dma_start3A_100 : memref<40x128xf32, #tpu.memory_space<vmem_shared>>) target(%arg14 : memref<40x128xf32, #tpu.memory_space<vmem>>) target_semaphore(%run_scoped3A : memref<!tpu.dma_semaphore, #tpu.memory_space<semaphore_mem>>)
        %dma_wait3A_101 = arith.constant 0 : i32
        %dma_wait3A_102 = tpu.memref_slice %arg29[%add3A_95, %dma_wait3A_101] : memref<10000x128xf32, #tpu.memory_space<vmem_shared>> -> memref<40x128xf32, #tpu.memory_space<vmem_shared>>
        %dma_wait3A_103 = arith.constant 0 : i32
        %dma_wait3A_104 = tpu.memref_slice %arg29[%add3A_95, %dma_wait3A_103] : memref<10000x128xf32, #tpu.memory_space<vmem_shared>> -> memref<40x128xf32, #tpu.memory_space<vmem_shared>>
        tpu.wait_dma2 semaphore(%run_scoped3A : memref<!tpu.dma_semaphore, #tpu.memory_space<semaphore_mem>>) src(%dma_wait3A_104 : memref<40x128xf32, #tpu.memory_space<vmem_shared>>) dst(%arg14 : memref<40x128xf32, #tpu.memory_space<vmem>>)
        tpu.yield
      }) : () -> ()
      "tpu.region"() ({
        %run_scoped3A = tpu.sem_alloc : memref<!tpu.dma_semaphore, #tpu.memory_space<semaphore_mem>>
        %dma_start3A_97 = arith.constant 0 : i32
        %dma_start3A_98 = tpu.memref_slice %arg6[%arg0, %add3A_95, %dma_start3A_97] : memref<2x10000x128xf32, #tpu.memory_space<hbm>> -> memref<1x40x128xf32, #tpu.memory_space<hbm>>
        %dma_start3A_99 = tpu.memref_squeeze %dma_start3A_98 : memref<1x40x128xf32, #tpu.memory_space<hbm>> -> memref<40x128xf32, #tpu.memory_space<hbm>>
        %dma_start3A_100 = arith.constant 0 : i32
        %dma_start3A_101 = tpu.memref_slice %arg6[%arg0, %add3A_95, %dma_start3A_100] : memref<2x10000x128xf32, #tpu.memory_space<hbm>> -> memref<1x40x128xf32, #tpu.memory_space<hbm>>
        %dma_start3A_102 = tpu.memref_squeeze %dma_start3A_101 : memref<1x40x128xf32, #tpu.memory_space<hbm>> -> memref<40x128xf32, #tpu.memory_space<hbm>>
        tpu.enqueue_dma source(%arg14 : memref<40x128xf32, #tpu.memory_space<vmem>>) target(%dma_start3A_102 : memref<40x128xf32, #tpu.memory_space<hbm>>) target_semaphore(%run_scoped3A : memref<!tpu.dma_semaphore, #tpu.memory_space<semaphore_mem>>)
        %dma_wait3A_103 = arith.constant 0 : i32
        %dma_wait3A_104 = tpu.memref_slice %arg6[%arg0, %add3A_95, %dma_wait3A_103] : memref<2x10000x128xf32, #tpu.memory_space<hbm>> -> memref<1x40x128xf32, #tpu.memory_space<hbm>>
        %dma_wait3A_105 = tpu.memref_squeeze %dma_wait3A_104 : memref<1x40x128xf32, #tpu.memory_space<hbm>> -> memref<40x128xf32, #tpu.memory_space<hbm>>
        %dma_wait3A_106 = arith.constant 0 : i32
        %dma_wait3A_107 = tpu.memref_slice %arg6[%arg0, %add3A_95, %dma_wait3A_106] : memref<2x10000x128xf32, #tpu.memory_space<hbm>> -> memref<1x40x128xf32, #tpu.memory_space<hbm>>
        %dma_wait3A_108 = tpu.memref_squeeze %dma_wait3A_107 : memref<1x40x128xf32, #tpu.memory_space<hbm>> -> memref<40x128xf32, #tpu.memory_space<hbm>>
        tpu.wait_dma2 semaphore(%run_scoped3A : memref<!tpu.dma_semaphore, #tpu.memory_space<semaphore_mem>>) src(%arg14 : memref<40x128xf32, #tpu.memory_space<vmem>>) dst(%dma_wait3A_108 : memref<40x128xf32, #tpu.memory_space<hbm>>)
        tpu.yield
      }) : () -> ()
      %while3A_96 = arith.constant 0 : i32
      scf.yield %while3A_96 : i32
    }
    return
  }
}

module attributes {stable_mosaic.version = 14 : i64} {
  func.func @_p_body(%arg0: memref<10000x142xf32, #tpu.memory_space<vmem>>, %arg1: memref<142x128xf32, #tpu.memory_space<vmem>>, %arg2: memref<10000x128xf32, #tpu.memory_space<vmem>>) attributes {dimension_semantics = [], scalar_prefetch = 0 : i64, scratch_operands = 0 : i64, tpu.core_type = #tpu.core_type<tc>} {
    %get3A = arith.constant 0 : index
    %get3A_0 = arith.constant 0 : index
    %get3A_1 = vector.load %arg0[%get3A, %get3A_0] : memref<10000x142xf32, #tpu.memory_space<vmem>>, vector<10000x142xf32>
    %get3A_2 = arith.constant 0 : index
    %get3A_3 = arith.constant 0 : index
    %get3A_4 = vector.load %arg1[%get3A_2, %get3A_3] : memref<142x128xf32, #tpu.memory_space<vmem>>, vector<142x128xf32>
    %dot_general3A = arith.constant dense<0.000000e+00> : vector<10000x128xf32>
    %dot_general3A_5 = tpu.matmul %get3A_1, %get3A_4, %dot_general3A {dimension_numbers = #tpu.dot_dimension_numbers<[1], [0], [0], [1], [0, 0, 1, 1], [], []>, transpose_lhs_hint = false} : vector<10000x142xf32>, vector<142x128xf32>, vector<10000x128xf32> -> vector<10000x128xf32>
    %swap3A = arith.constant 0 : index
    %swap3A_6 = arith.constant 0 : index
    %swap3A_7 = vector.load %arg2[%swap3A, %swap3A_6] : memref<10000x128xf32, #tpu.memory_space<vmem>>, vector<10000x128xf32>
    tpu.vector_store %arg2[%swap3A, %swap3A_6], %dot_general3A_5 {strides = array<i32>} : memref<10000x128xf32, #tpu.memory_space<vmem>>, vector<10000x128xf32>,
    return
  }
}

module attributes {stable_mosaic.version = 14 : i64} {
  func.func @_q_body(%arg0: i32, %arg1: memref<1600x1xf32, #tpu.memory_space<vmem>>, %arg2: memref<1x32xf32, #tpu.memory_space<vmem>>, %arg3: memref<1600x5xf32, #tpu.memory_space<vmem>>, %arg4: memref<5x128xf32, #tpu.memory_space<vmem>>, %arg5: memref<32x128xf32, #tpu.memory_space<vmem>>, %arg6: memref<1x128xf32, #tpu.memory_space<vmem>>, %arg7: memref<1600x128xf32, #tpu.memory_space<vmem>>) attributes {dimension_semantics = [#tpu.dimension_semantics<arbitrary>], iteration_bounds = array<i64: 200>, scalar_prefetch = 0 : i64, scratch_operands = 0 : i64, tpu.core_type = #tpu.core_type<tc>, window_params = [{transform_indices = @transform_0, window_bounds = array<i64: 1600, 1>}, {pipeline_mode = #tpu.pipeline_mode<synchronous>, transform_indices = @transform_1, window_bounds = array<i64: 1, 32>}, {transform_indices = @transform_2, window_bounds = array<i64: 1600, 5>}, {pipeline_mode = #tpu.pipeline_mode<synchronous>, transform_indices = @transform_3, window_bounds = array<i64: 5, 128>}, {pipeline_mode = #tpu.pipeline_mode<synchronous>, transform_indices = @transform_4, window_bounds = array<i64: 32, 128>}, {pipeline_mode = #tpu.pipeline_mode<synchronous>, transform_indices = @transform_5, window_bounds = array<i64: 1, 128>}, {transform_indices = @transform_6, window_bounds = array<i64: 1600, 128>}]} {
    %get3A = arith.constant 0 : index
    %get3A_0 = arith.constant 0 : index
    %get3A_1 = vector.load %arg1[%get3A, %get3A_0] : memref<1600x1xf32, #tpu.memory_space<vmem>>, vector<1600x1xf32>
    %get3A_2 = arith.constant 0 : index
    %get3A_3 = arith.constant 0 : index
    %get3A_4 = vector.load %arg2[%get3A_2, %get3A_3] : memref<1x32xf32, #tpu.memory_space<vmem>>, vector<1x32xf32>
    %mul3A = vector.broadcast %get3A_1 : vector<1600x1xf32> to vector<1600x32xf32>
    %mul3A_5 = vector.broadcast %get3A_4 : vector<1x32xf32> to vector<1600x32xf32>
    %mul3A_6 = arith.mulf %mul3A, %mul3A_5 : vector<1600x32xf32>
    %mul3A_7 = arith.constant 0.159154937 : f32
    %mul3A_8 = vector.broadcast %mul3A_7 : f32 to vector<1600x32xf32>
    %mul3A_9 = arith.mulf %mul3A_6, %mul3A_8 : vector<1600x32xf32>
    %round3A = math.roundeven %mul3A_9 : vector<1600x32xf32>
    %mul3A_10 = arith.constant 6.28318548 : f32
    %mul3A_11 = vector.broadcast %mul3A_10 : f32 to vector<1600x32xf32>
    %mul3A_12 = arith.mulf %round3A, %mul3A_11 : vector<1600x32xf32>
    %sub3A = arith.subf %mul3A_6, %mul3A_12 : vector<1600x32xf32>
    %mul3A_13 = arith.constant 5.000000e-01 : f32
    %mul3A_14 = vector.broadcast %mul3A_13 : f32 to vector<1600x32xf32>
    %mul3A_15 = arith.mulf %sub3A, %mul3A_14 : vector<1600x32xf32>
    %mul3A_16 = arith.mulf %mul3A_15, %mul3A_15 : vector<1600x32xf32>
    %mul3A_17 = arith.constant -2.50521079E-8 : f32
    %mul3A_18 = vector.broadcast %mul3A_17 : f32 to vector<1600x32xf32>
    %mul3A_19 = arith.mulf %mul3A_16, %mul3A_18 : vector<1600x32xf32>
    %add3A = arith.constant 2.75573188E-6 : f32
    %add3A_20 = vector.broadcast %add3A : f32 to vector<1600x32xf32>
    %add3A_21 = arith.addf %add3A_20, %mul3A_19 : vector<1600x32xf32>
    %mul3A_22 = arith.mulf %mul3A_16, %add3A_21 : vector<1600x32xf32>
    %add3A_23 = arith.constant -1.98412701E-4 : f32
    %add3A_24 = vector.broadcast %add3A_23 : f32 to vector<1600x32xf32>
    %add3A_25 = arith.addf %add3A_24, %mul3A_22 : vector<1600x32xf32>
    %mul3A_26 = arith.mulf %mul3A_16, %add3A_25 : vector<1600x32xf32>
    %add3A_27 = arith.constant 0.00833333377 : f32
    %add3A_28 = vector.broadcast %add3A_27 : f32 to vector<1600x32xf32>
    %add3A_29 = arith.addf %add3A_28, %mul3A_26 : vector<1600x32xf32>
    %mul3A_30 = arith.mulf %mul3A_16, %add3A_29 : vector<1600x32xf32>
    %add3A_31 = arith.constant -0.166666672 : f32
    %add3A_32 = vector.broadcast %add3A_31 : f32 to vector<1600x32xf32>
    %add3A_33 = arith.addf %add3A_32, %mul3A_30 : vector<1600x32xf32>
    %mul3A_34 = arith.mulf %mul3A_16, %add3A_33 : vector<1600x32xf32>
    %add3A_35 = arith.constant 1.000000e+00 : f32
    %add3A_36 = vector.broadcast %add3A_35 : f32 to vector<1600x32xf32>
    %add3A_37 = arith.addf %add3A_36, %mul3A_34 : vector<1600x32xf32>
    %mul3A_38 = arith.mulf %mul3A_15, %add3A_37 : vector<1600x32xf32>
    %mul3A_39 = arith.constant 2.08767559E-9 : f32
    %mul3A_40 = vector.broadcast %mul3A_39 : f32 to vector<1600x32xf32>
    %mul3A_41 = arith.mulf %mul3A_16, %mul3A_40 : vector<1600x32xf32>
    %add3A_42 = arith.constant -2.755732E-7 : f32
    %add3A_43 = vector.broadcast %add3A_42 : f32 to vector<1600x32xf32>
    %add3A_44 = arith.addf %add3A_43, %mul3A_41 : vector<1600x32xf32>
    %mul3A_45 = arith.mulf %mul3A_16, %add3A_44 : vector<1600x32xf32>
    %add3A_46 = arith.constant 2.48015876E-5 : f32
    %add3A_47 = vector.broadcast %add3A_46 : f32 to vector<1600x32xf32>
    %add3A_48 = arith.addf %add3A_47, %mul3A_45 : vector<1600x32xf32>
    %mul3A_49 = arith.mulf %mul3A_16, %add3A_48 : vector<1600x32xf32>
    %add3A_50 = arith.constant -0.00138888892 : f32
    %add3A_51 = vector.broadcast %add3A_50 : f32 to vector<1600x32xf32>
    %add3A_52 = arith.addf %add3A_51, %mul3A_49 : vector<1600x32xf32>
    %mul3A_53 = arith.mulf %mul3A_16, %add3A_52 : vector<1600x32xf32>
    %add3A_54 = arith.constant 0.0416666679 : f32
    %add3A_55 = vector.broadcast %add3A_54 : f32 to vector<1600x32xf32>
    %add3A_56 = arith.addf %add3A_55, %mul3A_53 : vector<1600x32xf32>
    %mul3A_57 = arith.mulf %mul3A_16, %add3A_56 : vector<1600x32xf32>
    %add3A_58 = arith.constant -5.000000e-01 : f32
    %add3A_59 = vector.broadcast %add3A_58 : f32 to vector<1600x32xf32>
    %add3A_60 = arith.addf %add3A_59, %mul3A_57 : vector<1600x32xf32>
    %mul3A_61 = arith.mulf %mul3A_16, %add3A_60 : vector<1600x32xf32>
    %add3A_62 = arith.constant 1.000000e+00 : f32
    %add3A_63 = vector.broadcast %add3A_62 : f32 to vector<1600x32xf32>
    %add3A_64 = arith.addf %add3A_63, %mul3A_61 : vector<1600x32xf32>
    %mul3A_65 = arith.constant 2.000000e+00 : f32
    %mul3A_66 = vector.broadcast %mul3A_65 : f32 to vector<1600x32xf32>
    %mul3A_67 = arith.mulf %mul3A_66, %mul3A_38 : vector<1600x32xf32>
    %mul3A_68 = arith.mulf %mul3A_67, %add3A_64 : vector<1600x32xf32>
    %mul3A_69 = arith.constant 2.000000e+00 : f32
    %mul3A_70 = vector.broadcast %mul3A_69 : f32 to vector<1600x32xf32>
    %mul3A_71 = arith.mulf %mul3A_70, %mul3A_38 : vector<1600x32xf32>
    %mul3A_72 = arith.mulf %mul3A_71, %mul3A_38 : vector<1600x32xf32>
    %sub3A_73 = arith.constant 1.000000e+00 : f32
    %sub3A_74 = vector.broadcast %sub3A_73 : f32 to vector<1600x32xf32>
    %sub3A_75 = arith.subf %sub3A_74, %mul3A_72 : vector<1600x32xf32>
    %iota3A = tpu.iota {dimensions = array<i32: 1>} : vector<1600x32xi32>
    %lt3A = arith.constant 10 : i32
    %lt3A_76 = vector.broadcast %lt3A : i32 to vector<1600x32xi32>
    %lt3A_77 = arith.cmpi slt, %iota3A, %lt3A_76 : vector<1600x32xi32>
    %select_n3A = arith.select %lt3A_77, %mul3A_68, %sub3A_75 : vector<1600x32xi1>, vector<1600x32xf32>
    %get3A_78 = arith.constant 0 : index
    %get3A_79 = arith.constant 0 : index
    %get3A_80 = vector.load %arg5[%get3A_78, %get3A_79] : memref<32x128xf32, #tpu.memory_space<vmem>>, vector<32x128xf32>
    %dot_general3A = arith.constant dense<0.000000e+00> : vector<1600x128xf32>
    %dot_general3A_81 = tpu.matmul %select_n3A, %get3A_80, %dot_general3A {dimension_numbers = #tpu.dot_dimension_numbers<[1], [0], [0], [1], [0, 0, 1, 1], [], []>, transpose_lhs_hint = false} : vector<1600x32xf32>, vector<32x128xf32>, vector<1600x128xf32> -> vector<1600x128xf32>
    %get3A_82 = arith.constant 0 : index
    %get3A_83 = arith.constant 0 : index
    %get3A_84 = vector.load %arg3[%get3A_82, %get3A_83] : memref<1600x5xf32, #tpu.memory_space<vmem>>, vector<1600x5xf32>
    %get3A_85 = arith.constant 0 : index
    %get3A_86 = arith.constant 0 : index
    %get3A_87 = vector.load %arg4[%get3A_85, %get3A_86] : memref<5x128xf32, #tpu.memory_space<vmem>>, vector<5x128xf32>
    %dot_general3A_88 = arith.constant dense<0.000000e+00> : vector<1600x128xf32>
    %dot_general3A_89 = tpu.matmul %get3A_84, %get3A_87, %dot_general3A_88 {dimension_numbers = #tpu.dot_dimension_numbers<[1], [0], [0], [1], [0, 0, 1, 1], [], []>, transpose_lhs_hint = false} : vector<1600x5xf32>, vector<5x128xf32>, vector<1600x128xf32> -> vector<1600x128xf32>
    %add3A_90 = arith.addf %dot_general3A_81, %dot_general3A_89 : vector<1600x128xf32>
    %get3A_91 = arith.constant 0 : index
    %get3A_92 = arith.constant 0 : index
    %get3A_93 = vector.load %arg6[%get3A_91, %get3A_92] : memref<1x128xf32, #tpu.memory_space<vmem>>, vector<1x128xf32>
    %add3A_94 = vector.broadcast %get3A_93 : vector<1x128xf32> to vector<1600x128xf32>
    %add3A_95 = arith.addf %add3A_90, %add3A_94 : vector<1600x128xf32>
    %swap3A = arith.constant 0 : index
    %swap3A_96 = arith.constant 0 : index
    %swap3A_97 = vector.load %arg7[%swap3A, %swap3A_96] : memref<1600x128xf32, #tpu.memory_space<vmem>>, vector<1600x128xf32>
    tpu.vector_store %arg7[%swap3A, %swap3A_96], %add3A_95 {strides = array<i32>} : memref<1600x128xf32, #tpu.memory_space<vmem>>, vector<1600x128xf32>,
    return
  }
  func.func @transform_0(%arg0: i32) -> (i32, i32) {
    %c0_i32 = arith.constant 0 : i32
    %c0_i32_0 = arith.constant 0 : i32
    return %arg0, %c0_i32 : i32, i32
  }
  func.func @transform_1(%arg0: i32) -> (i32, i32) {
    %c0_i32 = arith.constant 0 : i32
    %c0_i32_0 = arith.constant 0 : i32
    %c0_i32_1 = arith.constant 0 : i32
    return %c0_i32, %c0_i32_0 : i32, i32
  }
  func.func @transform_2(%arg0: i32) -> (i32, i32) {
    %c0_i32 = arith.constant 0 : i32
    %c0_i32_0 = arith.constant 0 : i32
    return %arg0, %c0_i32 : i32, i32
  }
  func.func @transform_3(%arg0: i32) -> (i32, i32) {
    %c0_i32 = arith.constant 0 : i32
    %c0_i32_0 = arith.constant 0 : i32
    %c0_i32_1 = arith.constant 0 : i32
    return %c0_i32, %c0_i32_0 : i32, i32
  }
  func.func @transform_4(%arg0: i32) -> (i32, i32) {
    %c0_i32 = arith.constant 0 : i32
    %c0_i32_0 = arith.constant 0 : i32
    %c0_i32_1 = arith.constant 0 : i32
    return %c0_i32, %c0_i32_0 : i32, i32
  }
  func.func @transform_5(%arg0: i32) -> (i32, i32) {
    %c0_i32 = arith.constant 0 : i32
    %c0_i32_0 = arith.constant 0 : i32
    %c0_i32_1 = arith.constant 0 : i32
    return %c0_i32, %c0_i32_0 : i32, i32
  }
  func.func @transform_6(%arg0: i32) -> (i32, i32) {
    %c0_i32 = arith.constant 0 : i32
    %c0_i32_0 = arith.constant 0 : i32
    return %arg0, %c0_i32 : i32, i32
  }
}

module attributes {stable_mosaic.version = 14 : i64} {
  func.func @_final_body(%arg0: memref<10000x142xf32, #tpu.memory_space<vmem>>, %arg1: memref<2x10000x128xf32, #tpu.memory_space<vmem>>, %arg2: memref<10000x1xi32, #tpu.memory_space<vmem>>, %arg3: memref<142x128xf32, #tpu.memory_space<vmem>>, %arg4: memref<128x128xf32, #tpu.memory_space<vmem>>, %arg5: memref<1x128xf32, #tpu.memory_space<vmem>>, %arg6: memref<128x1xf32, #tpu.memory_space<vmem>>, %arg7: memref<1x1xf32, #tpu.memory_space<vmem>>, %arg8: memref<10000x1xf32, #tpu.memory_space<vmem>>) attributes {dimension_semantics = [], scalar_prefetch = 0 : i64, scratch_operands = 0 : i64, tpu.core_type = #tpu.core_type<tc>} {
    %get3A = arith.constant 0 : index
    %get3A_0 = arith.constant 0 : index
    %get3A_1 = arith.constant 0 : index
    %get3A_2 = vector.load %arg1[%get3A, %get3A_0, %get3A_1] : memref<2x10000x128xf32, #tpu.memory_space<vmem>>, vector<1x10000x128xf32>
    %get3A_3 = vector.shape_cast %get3A_2 : vector<1x10000x128xf32> to vector<10000x128xf32>
    %get3A_4 = arith.constant 1 : index
    %get3A_5 = arith.constant 0 : index
    %get3A_6 = arith.constant 0 : index
    %get3A_7 = vector.load %arg1[%get3A_4, %get3A_5, %get3A_6] : memref<2x10000x128xf32, #tpu.memory_space<vmem>>, vector<1x10000x128xf32>
    %get3A_8 = vector.shape_cast %get3A_7 : vector<1x10000x128xf32> to vector<10000x128xf32>
    %add3A = arith.addf %get3A_3, %get3A_8 : vector<10000x128xf32>
    %get3A_9 = arith.constant 0 : index
    %get3A_10 = arith.constant 0 : index
    %get3A_11 = vector.load %arg0[%get3A_9, %get3A_10] : memref<10000x142xf32, #tpu.memory_space<vmem>>, vector<10000x142xf32>
    %get3A_12 = arith.constant 0 : index
    %get3A_13 = arith.constant 0 : index
    %get3A_14 = vector.load %arg3[%get3A_12, %get3A_13] : memref<142x128xf32, #tpu.memory_space<vmem>>, vector<142x128xf32>
    %dot_general3A = arith.constant dense<0.000000e+00> : vector<10000x128xf32>
    %dot_general3A_15 = tpu.matmul %get3A_11, %get3A_14, %dot_general3A {dimension_numbers = #tpu.dot_dimension_numbers<[1], [0], [0], [1], [0, 0, 1, 1], [], []>, transpose_lhs_hint = false} : vector<10000x142xf32>, vector<142x128xf32>, vector<10000x128xf32> -> vector<10000x128xf32>
    %get3A_16 = arith.constant 0 : index
    %get3A_17 = arith.constant 0 : index
    %get3A_18 = vector.load %arg4[%get3A_16, %get3A_17] : memref<128x128xf32, #tpu.memory_space<vmem>>, vector<128x128xf32>
    %dot_general3A_19 = arith.constant dense<0.000000e+00> : vector<10000x128xf32>
    %dot_general3A_20 = tpu.matmul %add3A, %get3A_18, %dot_general3A_19 {dimension_numbers = #tpu.dot_dimension_numbers<[1], [0], [0], [1], [0, 0, 1, 1], [], []>, transpose_lhs_hint = false} : vector<10000x128xf32>, vector<128x128xf32>, vector<10000x128xf32> -> vector<10000x128xf32>
    %add3A_21 = arith.addf %dot_general3A_15, %dot_general3A_20 : vector<10000x128xf32>
    %get3A_22 = arith.constant 0 : index
    %get3A_23 = arith.constant 0 : index
    %get3A_24 = vector.load %arg5[%get3A_22, %get3A_23] : memref<1x128xf32, #tpu.memory_space<vmem>>, vector<1x128xf32>
    %add3A_25 = vector.broadcast %get3A_24 : vector<1x128xf32> to vector<10000x128xf32>
    %add3A_26 = arith.addf %add3A_21, %add3A_25 : vector<10000x128xf32>
    %max3A = arith.constant 0.000000e+00 : f32
    %max3A_27 = vector.broadcast %max3A : f32 to vector<10000x128xf32>
    %max3A_28 = arith.maximumf %add3A_26, %max3A_27 : vector<10000x128xf32>
    %iota3A = tpu.iota {dimensions = array<i32: 1>} : vector<10000x128xi32>
    %get3A_29 = arith.constant 0 : index
    %get3A_30 = arith.constant 0 : index
    %get3A_31 = vector.load %arg2[%get3A_29, %get3A_30] : memref<10000x1xi32, #tpu.memory_space<vmem>>, vector<10000x1xi32>
    %eq3A = vector.broadcast %get3A_31 : vector<10000x1xi32> to vector<10000x128xi32>
    %eq3A_32 = arith.cmpi eq, %eq3A, %iota3A : vector<10000x128xi32>
    %convert_element_type3A = arith.extui %eq3A_32 : vector<10000x128xi1> to vector<10000x128xi32>
    %convert_element_type3A_33 = arith.sitofp %convert_element_type3A : vector<10000x128xi32> to vector<10000x128xf32>
    %dot_general3A_34 = arith.constant dense<0.000000e+00> : vector<128x128xf32>
    %dot_general3A_35 = tpu.matmul %convert_element_type3A_33, %max3A_28, %dot_general3A_34 {dimension_numbers = #tpu.dot_dimension_numbers<[0], [0], [1], [1], [0, 1, 1, 1], [], []>, transpose_lhs_hint = false} : vector<10000x128xf32>, vector<10000x128xf32>, vector<128x128xf32> -> vector<128x128xf32>
    %broadcast_in_dim3A = arith.constant 1.000000e+00 : f32
    %broadcast_in_dim3A_36 = vector.broadcast %broadcast_in_dim3A : f32 to vector<10000x1xf32>
    %dot_general3A_37 = arith.constant dense<0.000000e+00> : vector<128x1xf32>
    %dot_general3A_38 = tpu.matmul %convert_element_type3A_33, %broadcast_in_dim3A_36, %dot_general3A_37 {dimension_numbers = #tpu.dot_dimension_numbers<[0], [0], [1], [1], [0, 1, 1, 1], [], []>, transpose_lhs_hint = false} : vector<10000x128xf32>, vector<10000x1xf32>, vector<128x1xf32> -> vector<128x1xf32>
    %max3A_39 = arith.constant 1.000000e+00 : f32
    %max3A_40 = vector.broadcast %max3A_39 : f32 to vector<128x1xf32>
    %max3A_41 = arith.maximumf %dot_general3A_38, %max3A_40 : vector<128x1xf32>
    %div3A = vector.broadcast %max3A_41 : vector<128x1xf32> to vector<128x128xf32>
    %div3A_42 = arith.divf %dot_general3A_35, %div3A : vector<128x128xf32>
    %dot_general3A_43 = arith.constant dense<0.000000e+00> : vector<10000x128xf32>
    %dot_general3A_44 = tpu.matmul %convert_element_type3A_33, %div3A_42, %dot_general3A_43 {dimension_numbers = #tpu.dot_dimension_numbers<[1], [0], [0], [1], [0, 0, 1, 1], [], []>, transpose_lhs_hint = false} : vector<10000x128xf32>, vector<128x128xf32>, vector<10000x128xf32> -> vector<10000x128xf32>
    %add3A_45 = arith.addf %max3A_28, %dot_general3A_44 : vector<10000x128xf32>
    %get3A_46 = arith.constant 0 : index
    %get3A_47 = arith.constant 0 : index
    %get3A_48 = vector.load %arg6[%get3A_46, %get3A_47] : memref<128x1xf32, #tpu.memory_space<vmem>>, vector<128x1xf32>
    %dot_general3A_49 = arith.constant dense<0.000000e+00> : vector<10000x1xf32>
    %dot_general3A_50 = tpu.matmul %add3A_45, %get3A_48, %dot_general3A_49 {dimension_numbers = #tpu.dot_dimension_numbers<[1], [0], [0], [1], [0, 0, 1, 1], [], []>, transpose_lhs_hint = false} : vector<10000x128xf32>, vector<128x1xf32>, vector<10000x1xf32> -> vector<10000x1xf32>
    %get3A_51 = arith.constant 0 : index
    %get3A_52 = arith.constant 0 : index
    %get3A_53 = vector.load %arg7[%get3A_51, %get3A_52] : memref<1x1xf32, #tpu.memory_space<vmem>>, vector<1x1xf32>
    %add3A_54 = vector.broadcast %get3A_53 : vector<1x1xf32> to vector<10000x1xf32>
    %add3A_55 = arith.addf %dot_general3A_50, %add3A_54 : vector<10000x1xf32>
    %neg3A = arith.constant 0.000000e+00 : f32
    %neg3A_56 = vector.broadcast %neg3A : f32 to vector<10000x1xf32>
    %neg3A_57 = arith.subf %neg3A_56, %add3A_55 : vector<10000x1xf32>
    %exp3A = math.exp %neg3A_57 : vector<10000x1xf32>
    %add3A_58 = arith.constant 1.000000e+00 : f32
    %add3A_59 = vector.broadcast %add3A_58 : f32 to vector<10000x1xf32>
    %add3A_60 = arith.addf %add3A_59, %exp3A : vector<10000x1xf32>
    %div3A_61 = arith.constant 1.000000e+00 : f32
    %div3A_62 = vector.broadcast %div3A_61 : f32 to vector<10000x1xf32>
    %div3A_63 = arith.divf %div3A_62, %add3A_60 : vector<10000x1xf32>
    %swap3A = arith.constant 0 : index
    %swap3A_64 = arith.constant 0 : index
    %swap3A_65 = vector.load %arg8[%swap3A, %swap3A_64] : memref<10000x1xf32, #tpu.memory_space<vmem>>, vector<10000x1xf32>
    tpu.vector_store %arg8[%swap3A, %swap3A_64], %div3A_63 {strides = array<i32>} : memref<10000x1xf32, #tpu.memory_space<vmem>>, vector<10000x1xf32>,
    return
  }
}

</mosaic_0001>

<sc_bundles>
// kernel: kernel.6.cloned.1.call-start
scs
__scs_entry_jumppad:
0x0: {  	(pc) =	sbr.rel $0x88, $3  }
0x1: {  	(tag) =	ssettag $0x0;
	lr =	simm.s32 $0x1  }
0x2: {  	[smem:$0x3F95] =	sst lr;
	_ =	strace $0xD0000000  }
0x3: {  	_ = 	snop  }
0x4: {  	_ = 	snop  }
0x5: {  	_ = 	snop  }
0x6: {  	_ = 	snop  }
0x7: {  	_ = 	snop  }
__scs_overlays_trampoline_lowered:
0x8: {  	[smem:$0x3FA4] =	sst s0  }
0x9: {  	[smem:$0x3FA5] =	sst s1  }
0xa: {  	[smem:$0x3FA6] =	sst s2  }
0xb: {  	[smem:$0x3FA7] =	sst s3  }
0xc: {  	[smem:$0x3FA8] =	sst s4  }
0xd: {  	[smem:$0x3FA9] =	sst s5  }
0xe: {  	[smem:$0x3FAA] =	sst s6  }
0xf: {  	[smem:$0x3FAB] =	sst s7  }
0x10: {  	[smem:$0x3FAC] =	sst s8  }
0x11: {  	[smem:$0x3FAD] =	sst s9;
	s0 =	simm.s32 @!p0 $0x0  }
0x12: {  	s1 =	sld [smem:$0x3F93];
	s0 =	simm.s32 @p0 $0x1  }
0x13: {  	[smem:$0x3FAE] =	sst s0;
	s0 =	simm.s32 @!p1 $0x0  }
0x14: {  	s2 =	sld [smem:$0x3F92];
	s0 =	simm.s32 @p1 $0x1  }
0x15: {  	[smem:$0x3FAF] =	sst s0;
	s0 =	simm.s32 @!p2 $0x0  }
0x16: {  	s3 =	sld [smem:$0x3FDB];
	s0 =	simm.s32 @p2 $0x1  }
0x17: {  	s4 =	simm.s32 $0x1BF5;
	[smem:$0x3FB1] =	sst s0  }
0x18: {  	s0 =	sld [smem:$0x3F94];
	_ =	swait.ge [sflag:s4], $0x0  }
0x19: {  	s7 =	sld [smem:$0x3F95]  }
0x1a: {  	s8 =	sadd.s32 $0xFFFFE003, lr  }
0x1b: {  	s9 =	sadd.s32 $0xFFFFFEF7, lr;
	s5 =	simm.s32 $0xFFFFFFFF;
	p2 =	slt.u32 s8, $0xFFFFF086  }
0x1c: {  	p1 =	slt.u32 s9, $0xF7A;
	s5 =	simm.s32 @!p2 $0x0  }
0x1d: {  	s5 =	simm.s32 @p1 $0x1;
	p0 =	seq.s32 s7, s2  }
0x1e: {  	s7 =	smul.u32 @!p0 $0xF7A, s2;
	p2 =	seq.s32 @!p0 s5, $0x0  }
0x1f: {  	s9 =	smul.u32 $0xF7A, s1;
	s8 =	simm.s32 @!p0 $0x1BF5;
	p2 =	por !p2, p0  }
0x20: {  	[sflag:s8] =	ssyncset.s32 @!p0 $0xFFFFF086;
	s6 =	sadd.s32 @!p0 s3, s7;
	s7 =	simm.s32 @!p0 $0x108  }
0x21: {  	s3 =	sadd.s32 s3, s9;
	s6 =	sadd.s32 @!p0 $0x88, s6;
	s7 =	simm.s32 @p2 $0x1082  }
0x22: {  	[simem:s7], [sflag:s8] =	dma.local @!p0 [hbm:s6], $0xF7A  }
0x23: {  	s9 =	sor.u32 $0xD0000000, s2;
	s6 =	simm.s32 $0x108;
	_ =	swait.ge @!p0 [sflag:s8], $0x0  }
0x24: {  	s3 =	sadd.s32 $0x88, s3;
	s6 =	simm.s32 @!p1 $0x1082;
	[sflag:s4] =	ssyncset.s32 $0xFFFFF086  }
0x25: {  	[simem:s6], [sflag:s4] =	dma.local [hbm:s3], $0xF7A  }
0x26: {  	[smem:$0x3F95] =	sst s1;
	(tag) =	ssettag s2;
	_ =	strace s9  }
0x27: {  	s1 =	sld [smem:$0x3FA5]  }
0x28: {  	s2 =	sld [smem:$0x3FA6]  }
0x29: {  	s4 =	sld [smem:$0x3FA8]  }
0x2a: {  	p0 =	seq.s32 s5, $0x0;
	s5 =	sld [smem:$0x3FA9]  }
0x2b: {  	s6 =	sld [smem:$0x3FAA]  }
0x2c: {  	s7 =	sld [smem:$0x3FAB]  }
0x2d: {  	s3 =	simm.s32 $0x108;
	s8 =	sld [smem:$0x3FAC]  }
0x2e: {  	s3 =	simm.s32 @!p0 $0x1082;
	s9 =	sld [smem:$0x3FAD]  }
0x2f: {  	lr =	sadd.s32 s0, s3;
	s0 =	sld [smem:$0x3FA4]  }
0x30: {  	s3 =	sld [smem:$0x3FA7]  }
0x31: {  	[smem:$0x3FB0] =	sst s10  }
0x32: {  	s10 =	sld [smem:$0x3FAE];
	_ =	sdelay $0x3  }
0x33: {  	p0 =	seq.s32 s10, $0x1;
	s10 =	sld [smem:$0x3FB0];
	_ =	sdelay $0x3  }
0x34: {  	[smem:$0x3FB0] =	sst s10  }
0x35: {  	s10 =	sld [smem:$0x3FAF];
	_ =	sdelay $0x3  }
0x36: {  	p1 =	seq.s32 s10, $0x1;
	s10 =	sld [smem:$0x3FB0];
	_ =	sdelay $0x3  }
0x37: {  	[smem:$0x3FB0] =	sst s10  }
0x38: {  	s10 =	sld [smem:$0x3FB1]  }
0x39: {  	_ = 	snop;
	(pc) =	sbr.ind lr, $3  }
0x3a: {  	_ = 	snop  }
0x3b: {  	_ = 	snop  }
0x3c: {  	p2 =	seq.s32 s10, $0x1;
	s10 =	sld [smem:$0x3FB0]  }
0x3d: {  	_ =	shalt  }
0x3e: {  	_ =	shalt  }
0x3f: {  	_ =	shalt  }
0x40: {  	_ =	shalt  }
0x41: {  	_ =	shalt  }
0x42: {  	_ =	shalt  }
0x43: {  	_ =	shalt  }
0x44: {  	_ =	shalt  }
0x45: {  	_ =	shalt  }
0x46: {  	_ =	shalt  }
0x47: {  	_ =	shalt  }
0x48: {  	_ =	shalt  }
0x49: {  	_ =	shalt  }
0x4a: {  	_ =	shalt  }
0x4b: {  	_ =	shalt  }
0x4c: {  	_ =	shalt  }
0x4d: {  	_ =	shalt  }
0x4e: {  	_ =	shalt  }
0x4f: {  	_ =	shalt  }
0x50: {  	_ =	shalt  }
0x51: {  	_ =	shalt  }
0x52: {  	_ =	shalt  }
0x53: {  	_ =	shalt  }
0x54: {  	_ =	shalt  }
0x55: {  	_ =	shalt  }
0x56: {  	_ =	shalt  }
0x57: {  	_ =	shalt  }
0x58: {  	_ =	shalt  }
0x59: {  	_ =	shalt  }
0x5a: {  	_ =	shalt  }
0x5b: {  	_ =	shalt  }
0x5c: {  	_ =	shalt  }
0x5d: {  	_ =	shalt  }
0x5e: {  	_ =	shalt  }
0x5f: {  	_ =	shalt  }
0x60: {  	_ =	shalt  }
0x61: {  	_ =	shalt  }
0x62: {  	_ =	shalt  }
0x63: {  	_ =	shalt  }
0x64: {  	_ =	shalt  }
0x65: {  	_ =	shalt  }
0x66: {  	_ =	shalt  }
0x67: {  	_ =	shalt  }
0x68: {  	_ =	shalt  }
0x69: {  	_ =	shalt  }
0x6a: {  	_ =	shalt  }
0x6b: {  	_ =	shalt  }
0x6c: {  	_ =	shalt  }
0x6d: {  	_ =	shalt  }
0x6e: {  	_ =	shalt  }
0x6f: {  	_ =	shalt  }
0x70: {  	_ =	shalt  }
0x71: {  	_ =	shalt  }
0x72: {  	_ =	shalt  }
0x73: {  	_ =	shalt  }
0x74: {  	_ =	shalt  }
0x75: {  	_ =	shalt  }
0x76: {  	_ =	shalt  }
0x77: {  	_ =	shalt  }
0x78: {  	_ =	shalt  }
0x79: {  	_ =	shalt  }
0x7a: {  	_ =	shalt  }
0x7b: {  	_ =	shalt  }
0x7c: {  	_ =	shalt  }
0x7d: {  	_ =	shalt  }
0x7e: {  	_ =	shalt  }
0x7f: {  	_ =	shalt  }
0x80: {  	_ =	shalt  }
0x81: {  	_ =	shalt  }
0x82: {  	_ =	shalt  }
0x83: {  	_ =	shalt  }
0x84: {  	_ =	shalt  }
0x85: {  	_ =	shalt  }
0x86: {  	_ =	shalt  }
0x87: {  	_ =	shalt  }
.Lfunc_end0:
.L_simem_size_0:
called_computation_lowered:
.L_overlay_start_0:
0x88: {  	s2 =	sld [smem:$0x3FD9]  }
0x89: {  	s3 =	sld [smem:$0x3FFE];
	_ =	sdelay $0x1  }
0x8a: {  	s1 =	srdreg.scid  }
0x8b: {  	s0 =	sand.u32 $0x1, s1  }
0x8c: {  	s16 =	sshll.u32 s0, $0xA;
	s2 =	sadd.s32 s3, s2  }
0x8d: {  	s2 =	sadd.s32 s2, s16  }
0x8e: {  	[smem:$0x3FBC] =	sst s2  }
0x8f: {  	_ = 	snop  }
0x90: {  	(tm) =	ssettm $0x1  }
0x91: {  	s17 =	sld [smem:$0x3FFB];
	_ =	sdelay $0x3  }
0x92: {  	_ =	strace s17  }
0x93: {  	s2 =	sld [smem:$0x3FFC];
	_ =	sdelay $0x3  }
0x94: {  	_ =	strace s2  }
0x95: {  	s2 =	sld [smem:$0x3FFD];
	_ =	sdelay $0x3  }
0x96: {  	_ =	strace s2  }
0x97: {  	_ =	strace $0x8FFFFFFF  }
0x98: {  	s18 =	sld [smem:$0x3FDB];
	_ =	sdelay $0x1  }
0x99: {  	s19 =	simm.s32 $_scs_section_size  }
0x9a: {  	s4 =	simm.s32 $_size__tile_overlayer_lowered;
	s5 =	simm.s32 $_tile_overlayer_lowered  }
0x9b: {  	s22 =	simm.s32 $0x1BFF;
	s21 =	sshll.u32 s5, $0x1;
	s2 =	sadd.s32 s19, s18  }
0x9c: {  	s6 =	simm.s32 $0x0;
	s20 =	sshll.u32 s4, $0x1;
	s4 =	sadd.s32 s21, s2  }
0x9d: {  	[timem:s6], [sflag:s22] =	dma.local [hbm:s4], s20  }
0x9e: {  	_ =	swait.ge [sflag:s22], s20  }
0x9f: {  	s3 =	ssub.s32 $0x0, s20;
	[sflag:s22] =	ssyncset.done $0x0  }
0xa0: {  	[sflag:s22] =	ssyncadd.s32 s3;
	_ =	sdelay $0x1  }
0xa1: {  	s23 =	simm.s32 $0x1B8B  }
0xa2: {  	_ =	swait.ge [sflag:s23], $0x1  }
0xa3: {  	[sflag:s23] =	ssyncset.done $0x0  }
0xa4: {  	s25 =	simm.s32 $0x1B8E;
	s24 =	sld [smem:$0x3FFE];
	[sflag:s23] =	ssyncadd.s32 $0xFFFFFFFF  }
0xa5: {  	s26 =	simm.s32 $execute0_lowered;
	[smem:$0x3FD2] =	sst s25  }
0xa6: {  	s4 =	sshll.u32 s26, $0x1;
	_ =	strace $0x80000046;
	[dreg:$0x1] =	wrdreg $0xFFFFFFFF  }
0xa7: {  	s28 =	simm.s32 $_size_execute0_lowered;
	s2 =	sadd.s32 s2, s4;
	[dreg:$0x0] =	wrdreg $0x0  }
0xa8: {  	s4 =	sshll.u32 s28, $0x1;
	[dreg:$0x2] =	wrdreg s2  }
0xa9: {  	[dreg:$0x3] =	wrdreg s4  }
0xaa: {  	[dreg:$0x4] =	wrdreg $0xC0  }
0xab: {  	_ =	task [dreg:s6], $0x5FFFF  }
0xac: {  	[dreg:$0x1] =	wrdreg $0xFFFFFFFF  }
0xad: {  	[dreg:$0x0] =	wrdreg $0x60  }
0xae: {  	[dreg:$0x2] =	wrdreg s24  }
0xaf: {  	[dreg:$0x3] =	wrdreg $0xA1000  }
0xb0: {  	[dreg:$0x4] =	wrdreg $0x9  }
0xb1: {  	_ =	task.clear_ibuf [dreg:s6], $0x5FFFF;
	_ =	strace $0x90000046  }
0xb2: {  	s29 =	simm.s32 $0x9;
	_ =	strace $0x80000048  }
0xb3: {  	_ =	swait.ge [sflag:s29], $0x1  }
0xb4: {  	[sflag:s29] =	ssyncadd.s32 $0xFFFFFFFF  }
0xb5: {  	_ =	strace $0x90000048  }
0xb6: {  	_ =	sfence  }
0xb7: {  	s30 =	sld [smem:$0x0];
	_ =	sdelay $0x2  }
0xb8: {  	s31 =	sshll.u32 s1, $0xD;
	s1 =	sshrl.u32 s1, $0x2  }
0xb9: {  	s3 =	sand.u32 $0x4000, s31;
	s1 =	sadd.s32 s1, s30  }
0xba: {  	s0 =	sor.u32 s3, s0;
	s1 =	sshll.u32 s1, $0x11  }
0xbb: {  	s0 =	sor.u32 s1, s0  }
0xbc: {  	s0 =	sadd.s32 $0x8F2B, s0  }
0xbd: {  	[sflag:s0] =	ssyncadd.remote.s32 $0x1  }
0xbe: {  	_ =	sfence.sel $0xFFFF  }
0xbf: {  	[dreg:$0x0] =	wrdreg $0xFFFFFFFF;
	(pc) =	sbr.abs _section_cstart, $3  }
0xc0: {  	[dreg:$0x1] =	wrdreg $0xFFFFFFFF  }
0xc1: {  	_ =	task.clear_ibuf [dreg:s6], $0x2FFFF;
	_ =	strace $0x9FFFFFFF  }
0xc2: {  	(tm) =	ssettm $0x7FFFFFFF  }
0xc3: {  	_ =	shalt  }
tec
execute0_lowered:
.L_overlay_start_1:
0x0: {  	(tag) =	ssettag $0x1  }
0x1: {  	s0 =	srdreg.scid;
	s1 =	rddreg [dreg:$0x0]  }
0x2: {  	s14 =	stileid.u32;
	s2 =	rddreg [dreg:$0x1];
	s23 =	simm.s32 $0xA  }
0x3: {  	s17 =	simm.s32 $0xD;
	s18 =	simm.s32 $0x6500;
	s20 =	simm.s32 $0x28  }
0x4: {  	s28 =	simm.s32 $0x7;
	s30 =	simm.s32 $0x8D00;
	s31 =	simm.s32 $0x2880  }
0x5: {  	s15 =	simm.s32 $0x0;
	s5 =	sadd.s32 $0xA27600, s1;
	s6 =	sadd.s32 $0xA4E800, s1  }
0x6: {  	s0 =	sand.u32 $0x1, s0;
	s7 =	sadd.s32 $0xA13A00, s1;
	s13 =	smul.u32 $0x50000, s14  }
0x7: {  	s8 =	sadd.s32 $0x4FA00, s1;
	p0 =	seq.s32 s14, $0xF;
	s26 =	smul.u32 $0x14000, s14  }
0x8: {  	s3 =	sshll.u32 s0, $0x4;
	s12 =	ssub.s32 $0x2, s0;
	s23 =	simm.s32 @!p0 $0x10  }
0x9: {  	s0 =	smul.u32 $0x138800, s0;
	s9 =	sor.u32 s14, s3;
	s3 =	simm.s32 $0x0  }
0xa: {  	s21 =	sshrl.u32 s12, $0x1;
	s25 =	sshrl.u32 s13, $0x2;
	s13 =	simm.s32 $0x6  }
0xb: {  	s14 =	simm.s32 $0x9;
	s4 =	smul.u32 $0x2710, s9;
	[smem:$0x7FF] =	sst s3  }
0xc: {  	s22 =	smul.u32 $0x27100, s9;
	s9 =	simm.s32 $0xA;
	s0 =	sadd.s32 s26, s0  }
0xd: {  	s29 =	sadd.s32 s25, s2;
	_ =	strace $0x80000047;
	[dreg:$0x9] =	wrdreg s0  }
0xe: {  	s25 =	simm.s32 $0x1;
	s26 =	simm.s32 $0x4;
	[dreg:$0x3] =	wrdreg s23  }
0xf: {  	s0 =	simm.s32 $0x5;
	[dreg:$0x8] =	wrdreg s29;
	s10 =	sshrl.u32 s4, $0x3  }
0x10: {  	s24 =	sadd.s32 s6, s22;
	s11 =	sadd.s32 s10, s1;
	s1 =	ssub.s32 s12, s21  }
0x11: {  	[dreg:$0x5] =	wrdreg s24;
	s10 =	sadd.s32 s7, s10;
	s21 =	simm.s32 $0x2780  }
0x12: {  	s24 =	simm.s32 $0x2800;
	s11 =	sadd.s32 $0xA1D800, s11;
	[dreg:$0x6] =	wrdreg s10  }
0x13: {  	s12 =	simm.s32 $0x3;
	s1 =	smax.u32 s1, $0x1;
	[dreg:$0x4] =	wrdreg s11  }
0x14: {  	v0 =	vimm.f32 $0.0e+00;
	[dreg:$0x7] =	wrdreg s1;
	s1 =	simm.s32 $0x2;
	s11 =	simm.s32 $0x8  }
.LBB2_1:
0x15: {  	[dreg:$0xa] =	wrdreg s15  }
0x16: {  	s10 =	rddreg [dreg:$0x4]  }
0x17: {  	[tilespmem:s3], [sflag:$0xD] =	stream.linear.gather [hbm4b:s10+s3], $0x2710, $0x38;
	[tilespmem:$0x1D980] =	vst v63  }
0x18: {  	s19 =	sand.u32 $0x7E00, s3;
	s22 =	sand.u32 $0x70, s3;
	_ =	swait.ge [sflag:s17], $0x2710  }
0x19: {  	s15 =	simm.s32 $0x0;
	s16 =	sshrl.u32 s19, $0x2;
	[sflag:s17] =	ssyncset.done $0x0  }
0x1a: {  	s10 =	simm.s32 $0x40;
	s16 =	sor.u32 s22, s16;
	[sflag:s17] =	ssyncadd.s32 $0xFFFFD8F0  }
.LBB2_2:
0x1b: {  	p0 =	sne.s32 s10, $0x4FC0  }
0x1c: {  	[tilespmem:s16+$0x6500] =	vst v0;
	s15 =	sadd.s32 $0x10, s15;
	s16 =	smov.u32 s10;
	s10 =	sadd.s32 $0x40, s10  }
.Ltmp0:
0x1d: {  	(pc) =	sbr.rel @p0 .LBB2_2-.Ltmp0, $4  }
0x1e: {  	_ = 	snop  }
0x1f: {  	s16 =	sand.u32 $0x7E00, s16  }
0x20: {  	s22 =	sand.u32 $0x70, s15;
	s16 =	sshrl.u32 s16, $0x2  }
0x21: {  	s16 =	sor.u32 s22, s16  }
0x22: {  	p0 =	sne.s32 s23, $0x1  }
.Ltmp1:
0x23: {  	_ = 	snop;
	(pc) =	sbr.rel @!p0 .LBB2_5-.Ltmp1, $4  }
0x24: {  	[tilespmem:s16+$0x6500] =	vst v0  }
0x25: {  	[spmem:s29] =	stream.linear.scatter [tilespmem:s18], [sflag:$0xD], $0x1400, $0x38;
	[tilespmem:$0x1D980] =	vst v63  }
0x26: {  	_ =	swait.ge [sflag:s17], $0x1400  }
0x27: {  	s10 =	sadd.s32 $0xFFFFFFFF, s23;
	s15 =	smov.u32 s29;
	[sflag:s17] =	ssyncset.done $0x0  }
.LBB2_4:
0x28: {  	p1 =	sne.s32 s10, $0x1;
	[sflag:s17] =	ssyncadd.s32 $0xFFFFEC00;
	s15 =	sadd.s32 $0x1400, s15  }
.Ltmp2:
0x29: {  	s10 =	sadd.s32 $0xFFFFFFFF, s10;
	(pc) =	sbr.rel @p1 .LBB2_4-.Ltmp2, $4  }
0x2a: {  	_ = 	snop  }
0x2b: {  	[spmem:s15] =	stream.linear.scatter [tilespmem:s18], [sflag:$0xD], $0x1400, $0x38;
	[tilespmem:$0x1D980] =	vst v63  }
0x2c: {  	_ =	swait.ge [sflag:s17], $0x1400  }
0x2d: {  	[sflag:s17] =	ssyncset.done $0x0  }
.LBB2_5:
0x2e: {  	[sflag:s17] =	ssyncadd.s32 $0xFFFFEC00  }
0x2f: {  	[bflag:$0x0] =	sbarrier.arrive $0xFFFF  }
0x30: {  	s10 =	simm.s32 $0x0;
	s16 =	simm.s32 $0x2900;
	s15 =	rddreg [dreg:$0x5]  }
0x31: {  	[tilespmem:s16], [sflag:$0x1] =	stream.linear.gather [hbm4b:s15+s10], $0x1400, $0x38;
	[tilespmem:$0x1D980] =	vst v63  }
0x32: {  	_ = 	snop  }
0x33: {  	[tilespmem:s18], [sflag:$0x4] =	stream.indirect.gather [hbm4b:s5+s20], $0x80, s10, s20, $0xb8;
	[tilespmem:$0x1D980] =	vst v63  }
0x34: {  	s29 =	rddreg [dreg:$0x6];
	s15 =	simm.s32 $0x0  }
0x35: {  	[tilespmem:s21], [sflag:$0x7] =	stream.linear.gather [hbm4b:s29+s10], $0x28, $0x38;
	[tilespmem:$0x1D980] =	vst v63  }
.LBB2_6:
0x36: {  	s16 =	smul.u32 $0x78, s15  }
0x37: {  	p1 =	seq.s32 s15, $0x0  }
0x38: {  	s22 =	simm.s32 @!p1 $0xB;
	s29 =	sadd.s32 $0x28, s16  }
0x39: {  	_ =	swait.ge @!p1 [sflag:s22], $0x1400;
	s19 =	sadd.s32 s4, s29  }
0x3a: {  	[sflag:s22] =	ssyncset.done @!p1 $0x0;
	s23 =	sshll.u32 s19, $0x4  }
0x3b: {  	[sflag:s22] =	ssyncadd.s32 @!p1 $0xFFFFEC00;
	s22 =	sadd.s32 s6, s23;
	s23 =	simm.s32 $0x3D00  }
0x3c: {  	[tilespmem:s23], [sflag:$0x2] =	stream.linear.gather [hbm4b:s22+s10], $0x1400, $0x38;
	[tilespmem:$0x1D980] =	vst v63  }
0x3d: {  	s19 =	sshrl.u32 s19, $0x3;
	s23 =	simm.s32 $0x7900  }
0x3e: {  	[tilespmem:s23], [sflag:$0x5] =	stream.indirect.gather [hbm4b:s5+s20], $0x80, s29, s20, $0xb8;
	[tilespmem:$0x1D980] =	vst v63  }
0x3f: {  	s19 =	sadd.s32 s7, s19  }
0x40: {  	[tilespmem:s24], [sflag:$0x8] =	stream.linear.gather [hbm4b:s19+s10], $0x28, $0x38;
	[tilespmem:$0x1D980] =	vst v63  }
0x41: {  	_ =	swait.ge [sflag:s25], $0x1400  }
0x42: {  	[sflag:s25] =	ssyncset.done $0x0  }
0x43: {  	[sflag:s25] =	ssyncadd.s32 $0xFFFFEC00  }
0x44: {  	_ =	swait.ge [sflag:s26], $0x1400  }
0x45: {  	[sflag:s26] =	ssyncset.done $0x0  }
0x46: {  	s22 =	simm.s32 $0x0;
	[sflag:s26] =	ssyncadd.s32 $0xFFFFEC00  }
0x47: {  	v7 =	vld [tilespmem:s22+$0x2900]  }
0x48: {  	v12 =	vld [tilespmem:s22+$0x2910]  }
0x49: {  	v6 =	vld [tilespmem:s22+$0x2920]  }
0x4a: {  	v5 =	vld [tilespmem:s22+$0x2930]  }
0x4b: {  	v4 =	vld [tilespmem:s22+$0x2940]  }
0x4c: {  	v3 =	vld [tilespmem:s22+$0x2950]  }
0x4d: {  	v2 =	vld [tilespmem:s22+$0x2960]  }
0x4e: {  	v1 =	vld [tilespmem:s22+$0x2970]  }
0x4f: {  	v13 =	vld [tilespmem:s22+$0x6500]  }
0x50: {  	v14 =	vld [tilespmem:s22+$0x6510]  }
0x51: {  	v11 =	vld [tilespmem:s22+$0x6520]  }
0x52: {  	v10 =	vld [tilespmem:s22+$0x6530]  }
0x53: {  	v9 =	vld [tilespmem:s22+$0x6540]  }
0x54: {  	v8 =	vld [tilespmem:s22+$0x6550];
	v13 =	vadd.f32 v7, v13  }
0x55: {  	s29 =	simm.s32 $0x200;
	v12 =	vadd.f32 v12, v14;
	v7 =	vld [tilespmem:s22+$0x6560]  }
.LBB2_7:
0x56: {  	s19 =	sshra.s32 s29, $0x2;
	p2 =	sne.s32 s29, $0x4E00;
	v13 =	vmax.f32 v13, $0.0e+00;
	v6 =	vadd.f32 v6, v11;
	v11 =	vld [tilespmem:s22+$0x6570]  }
0x57: {  	v14 =	vld [tilespmem:s19+$0x2900];
	[tilespmem:s22+$0x6500] =	vst v13;
	v12 =	vmax.f32 v12, $0.0e+00;
	v5 =	vadd.f32 v5, v10  }
0x58: {  	v15 =	vld [tilespmem:s19+$0x2910];
	[tilespmem:s22+$0x6510] =	vst v12;
	v10 =	vmax.f32 v6, $0.0e+00;
	v4 =	vadd.f32 v4, v9  }
0x59: {  	v6 =	vld [tilespmem:s19+$0x2920];
	[tilespmem:s22+$0x6520] =	vst v10;
	v9 =	vmax.f32 v5, $0.0e+00;
	v3 =	vadd.f32 v3, v8  }
0x5a: {  	v5 =	vld [tilespmem:s19+$0x2930];
	[tilespmem:s22+$0x6530] =	vst v9;
	v8 =	vmax.f32 v4, $0.0e+00;
	v2 =	vadd.f32 v2, v7  }
0x5b: {  	v4 =	vld [tilespmem:s19+$0x2940];
	[tilespmem:s22+$0x6540] =	vst v8;
	v7 =	vmax.f32 v3, $0.0e+00;
	v1 =	vadd.f32 v1, v11  }
0x5c: {  	v3 =	vld [tilespmem:s19+$0x2950];
	[tilespmem:s22+$0x6550] =	vst v7;
	v7 =	vmax.f32 v2, $0.0e+00  }
0x5d: {  	v2 =	vld [tilespmem:s19+$0x2960];
	[tilespmem:s22+$0x6560] =	vst v7;
	v7 =	vmax.f32 v1, $0.0e+00  }
0x5e: {  	v1 =	vld [tilespmem:s19+$0x2970];
	[tilespmem:s22+$0x6570] =	vst v7;
	s22 =	smov.u32 s19  }
0x5f: {  	v7 =	vld [tilespmem:s22+$0x6500]  }
0x60: {  	v12 =	vld [tilespmem:s22+$0x6510]  }
.Ltmp3:
0x61: {  	v11 =	vld [tilespmem:s22+$0x6520];
	(pc) =	sbr.rel @p2 .LBB2_7-.Ltmp3, $4  }
0x62: {  	v10 =	vld [tilespmem:s22+$0x6530]  }
0x63: {  	v9 =	vld [tilespmem:s22+$0x6540]  }
0x64: {  	v13 =	vadd.f32 v14, v7;
	v8 =	vld [tilespmem:s22+$0x6550]  }
0x65: {  	s29 =	sadd.s32 $0x200, s29;
	v12 =	vadd.f32 v15, v12;
	v7 =	vld [tilespmem:s22+$0x6560]  }
0x66: {  	v13 =	vmax.f32 v13, $0.0e+00;
	v6 =	vadd.f32 v6, v11;
	v11 =	vld [tilespmem:s22+$0x6570]  }
0x67: {  	[tilespmem:s22+$0x6500] =	vst v13;
	v12 =	vmax.f32 v12, $0.0e+00;
	v5 =	vadd.f32 v5, v10  }
0x68: {  	[tilespmem:s22+$0x6510] =	vst v12;
	v6 =	vmax.f32 v6, $0.0e+00;
	v4 =	vadd.f32 v4, v9  }
0x69: {  	[tilespmem:s22+$0x6520] =	vst v6;
	v5 =	vmax.f32 v5, $0.0e+00;
	v3 =	vadd.f32 v3, v8  }
0x6a: {  	[tilespmem:s22+$0x6530] =	vst v5;
	v4 =	vmax.f32 v4, $0.0e+00;
	v2 =	vadd.f32 v2, v7  }
0x6b: {  	[tilespmem:s22+$0x6540] =	vst v4;
	v3 =	vmax.f32 v3, $0.0e+00;
	v1 =	vadd.f32 v1, v11  }
0x6c: {  	[tilespmem:s22+$0x6550] =	vst v3;
	v2 =	vmax.f32 v2, $0.0e+00  }
0x6d: {  	[tilespmem:s22+$0x6560] =	vst v2;
	v1 =	vmax.f32 v1, $0.0e+00  }
0x6e: {  	[tilespmem:s22+$0x6570] =	vst v1  }
0x6f: {  	_ =	swait.ge [sflag:s28], $0x28  }
0x70: {  	[sflag:s28] =	ssyncset.done $0x0  }
0x71: {  	s19 =	simm.s32 @!p1 $0xC;
	s22 =	sadd.s32 $0x50, s16;
	[sflag:s28] =	ssyncadd.s32 $0xFFFFFFD8  }
0x72: {  	[spmem:s2] =	stream.indirect.scatter.add.f32 [tilespmem:s18], [sflag:$0xA], $0x80, s21, s20, $0xb8;
	[tilespmem:$0x1D980] =	vst v63  }
0x73: {  	s23 =	sadd.s32 s4, s22;
	_ =	swait.ge @!p1 [sflag:s19], $0x1400  }
0x74: {  	s24 =	simm.s32 $0x5100;
	s29 =	sshll.u32 s23, $0x4;
	[sflag:s19] =	ssyncset.done @!p1 $0x0  }
0x75: {  	[sflag:s19] =	ssyncadd.s32 @!p1 $0xFFFFEC00;
	s19 =	sadd.s32 s6, s29;
	s29 =	simm.s32 $0x0  }
0x76: {  	[tilespmem:s24], [sflag:$0x3] =	stream.linear.gather [hbm4b:s19+s29], $0x1400, $0x38;
	[tilespmem:$0x1D980] =	vst v63  }
0x77: {  	s24 =	sshrl.u32 s23, $0x3  }
0x78: {  	[tilespmem:s30], [sflag:$0x6] =	stream.indirect.gather [hbm4b:s5+s20], $0x80, s22, s20, $0xb8;
	[tilespmem:$0x1D980] =	vst v63  }
0x79: {  	s19 =	sadd.s32 s7, s24  }
0x7a: {  	[tilespmem:s31], [sflag:$0x9] =	stream.linear.gather [hbm4b:s19+s29], $0x28, $0x38;
	[tilespmem:$0x1D980] =	vst v63  }
0x7b: {  	_ =	swait.ge [sflag:s1], $0x1400  }
0x7c: {  	[sflag:s1] =	ssyncset.done $0x0  }
0x7d: {  	[sflag:s1] =	ssyncadd.s32 $0xFFFFEC00  }
0x7e: {  	_ =	swait.ge [sflag:s0], $0x1400  }
0x7f: {  	[sflag:s0] =	ssyncset.done $0x0  }
0x80: {  	s22 =	simm.s32 $0x0;
	[sflag:s0] =	ssyncadd.s32 $0xFFFFEC00  }
0x81: {  	v7 =	vld [tilespmem:s22+$0x3D00]  }
0x82: {  	v12 =	vld [tilespmem:s22+$0x3D10]  }
0x83: {  	v6 =	vld [tilespmem:s22+$0x3D20]  }
0x84: {  	v5 =	vld [tilespmem:s22+$0x3D30]  }
0x85: {  	v4 =	vld [tilespmem:s22+$0x3D40]  }
0x86: {  	v3 =	vld [tilespmem:s22+$0x3D50]  }
0x87: {  	v2 =	vld [tilespmem:s22+$0x3D60]  }
0x88: {  	v1 =	vld [tilespmem:s22+$0x3D70]  }
0x89: {  	v13 =	vld [tilespmem:s22+$0x7900]  }
0x8a: {  	v14 =	vld [tilespmem:s22+$0x7910]  }
0x8b: {  	v11 =	vld [tilespmem:s22+$0x7920]  }
0x8c: {  	v10 =	vld [tilespmem:s22+$0x7930]  }
0x8d: {  	v9 =	vld [tilespmem:s22+$0x7940]  }
0x8e: {  	v8 =	vld [tilespmem:s22+$0x7950];
	v13 =	vadd.f32 v7, v13  }
0x8f: {  	s29 =	simm.s32 $0x200;
	v12 =	vadd.f32 v12, v14;
	v7 =	vld [tilespmem:s22+$0x7960]  }
.LBB2_9:
0x90: {  	s19 =	sshra.s32 s29, $0x2;
	p1 =	sne.s32 s29, $0x4E00;
	v13 =	vmax.f32 v13, $0.0e+00;
	v6 =	vadd.f32 v6, v11;
	v11 =	vld [tilespmem:s22+$0x7970]  }
0x91: {  	v14 =	vld [tilespmem:s19+$0x3D00];
	[tilespmem:s22+$0x7900] =	vst v13;
	v12 =	vmax.f32 v12, $0.0e+00;
	v5 =	vadd.f32 v5, v10  }
0x92: {  	v15 =	vld [tilespmem:s19+$0x3D10];
	[tilespmem:s22+$0x7910] =	vst v12;
	v10 =	vmax.f32 v6, $0.0e+00;
	v4 =	vadd.f32 v4, v9  }
0x93: {  	v6 =	vld [tilespmem:s19+$0x3D20];
	[tilespmem:s22+$0x7920] =	vst v10;
	v9 =	vmax.f32 v5, $0.0e+00;
	v3 =	vadd.f32 v3, v8  }
0x94: {  	v5 =	vld [tilespmem:s19+$0x3D30];
	[tilespmem:s22+$0x7930] =	vst v9;
	v8 =	vmax.f32 v4, $0.0e+00;
	v2 =	vadd.f32 v2, v7  }
0x95: {  	v4 =	vld [tilespmem:s19+$0x3D40];
	[tilespmem:s22+$0x7940] =	vst v8;
	v7 =	vmax.f32 v3, $0.0e+00;
	v1 =	vadd.f32 v1, v11  }
0x96: {  	v3 =	vld [tilespmem:s19+$0x3D50];
	[tilespmem:s22+$0x7950] =	vst v7;
	v7 =	vmax.f32 v2, $0.0e+00  }
0x97: {  	v2 =	vld [tilespmem:s19+$0x3D60];
	[tilespmem:s22+$0x7960] =	vst v7;
	v7 =	vmax.f32 v1, $0.0e+00  }
0x98: {  	v1 =	vld [tilespmem:s19+$0x3D70];
	[tilespmem:s22+$0x7970] =	vst v7;
	s22 =	smov.u32 s19  }
0x99: {  	v7 =	vld [tilespmem:s22+$0x7900]  }
0x9a: {  	v12 =	vld [tilespmem:s22+$0x7910]  }
.Ltmp4:
0x9b: {  	v11 =	vld [tilespmem:s22+$0x7920];
	(pc) =	sbr.rel @p1 .LBB2_9-.Ltmp4, $4  }
0x9c: {  	v10 =	vld [tilespmem:s22+$0x7930]  }
0x9d: {  	v9 =	vld [tilespmem:s22+$0x7940]  }
0x9e: {  	v13 =	vadd.f32 v14, v7;
	v8 =	vld [tilespmem:s22+$0x7950]  }
0x9f: {  	s29 =	sadd.s32 $0x200, s29;
	v12 =	vadd.f32 v15, v12;
	v7 =	vld [tilespmem:s22+$0x7960]  }
0xa0: {  	v13 =	vmax.f32 v13, $0.0e+00;
	v6 =	vadd.f32 v6, v11;
	v11 =	vld [tilespmem:s22+$0x7970]  }
0xa1: {  	[tilespmem:s22+$0x7900] =	vst v13;
	v12 =	vmax.f32 v12, $0.0e+00;
	v5 =	vadd.f32 v5, v10  }
0xa2: {  	[tilespmem:s22+$0x7910] =	vst v12;
	v6 =	vmax.f32 v6, $0.0e+00;
	v4 =	vadd.f32 v4, v9  }
0xa3: {  	[tilespmem:s22+$0x7920] =	vst v6;
	v5 =	vmax.f32 v5, $0.0e+00;
	v3 =	vadd.f32 v3, v8  }
0xa4: {  	[tilespmem:s22+$0x7930] =	vst v5;
	v4 =	vmax.f32 v4, $0.0e+00;
	v2 =	vadd.f32 v2, v7  }
0xa5: {  	[tilespmem:s22+$0x7940] =	vst v4;
	v3 =	vmax.f32 v3, $0.0e+00;
	v1 =	vadd.f32 v1, v11  }
0xa6: {  	[tilespmem:s22+$0x7950] =	vst v3;
	v2 =	vmax.f32 v2, $0.0e+00  }
0xa7: {  	[tilespmem:s22+$0x7960] =	vst v2;
	v1 =	vmax.f32 v1, $0.0e+00  }
0xa8: {  	[tilespmem:s22+$0x7970] =	vst v1  }
0xa9: {  	_ =	swait.ge [sflag:s11], $0x28  }
0xaa: {  	s19 =	simm.s32 $0x7900;
	[sflag:s11] =	ssyncset.done $0x0  }
0xab: {  	s24 =	simm.s32 $0x2800;
	s16 =	sadd.s32 $0x78, s16;
	[sflag:s11] =	ssyncadd.s32 $0xFFFFFFD8  }
0xac: {  	[spmem:s2] =	stream.indirect.scatter.add.f32 [tilespmem:s19], [sflag:$0xB], $0x80, s24, s20, $0xb8;
	[tilespmem:$0x1D980] =	vst v63  }
0xad: {  	s19 =	sadd.s32 s4, s16;
	_ =	swait.ge [sflag:s9], $0x1400  }
0xae: {  	s29 =	simm.s32 $0x2900;
	s23 =	sshll.u32 s19, $0x4;
	[sflag:s9] =	ssyncset.done $0x0  }
0xaf: {  	s22 =	sadd.s32 s6, s23;
	s23 =	simm.s32 $0x0;
	[sflag:s9] =	ssyncadd.s32 $0xFFFFEC00  }
0xb0: {  	[tilespmem:s29], [sflag:$0x1] =	stream.linear.gather [hbm4b:s22+s23], $0x1400, $0x38;
	[tilespmem:$0x1D980] =	vst v63  }
0xb1: {  	s29 =	sshrl.u32 s19, $0x3  }
0xb2: {  	[tilespmem:s18], [sflag:$0x4] =	stream.indirect.gather [hbm4b:s5+s20], $0x80, s16, s20, $0xb8;
	[tilespmem:$0x1D980] =	vst v63  }
0xb3: {  	s16 =	sadd.s32 s7, s29  }
0xb4: {  	[tilespmem:s21], [sflag:$0x7] =	stream.linear.gather [hbm4b:s16+s23], $0x28, $0x38;
	[tilespmem:$0x1D980] =	vst v63  }
0xb5: {  	_ =	swait.ge [sflag:s12], $0x1400  }
0xb6: {  	[sflag:s12] =	ssyncset.done $0x0  }
0xb7: {  	[sflag:s12] =	ssyncadd.s32 $0xFFFFEC00  }
0xb8: {  	_ =	swait.ge [sflag:s13], $0x1400  }
0xb9: {  	[sflag:s13] =	ssyncset.done $0x0  }
0xba: {  	s16 =	simm.s32 $0x0;
	[sflag:s13] =	ssyncadd.s32 $0xFFFFEC00  }
0xbb: {  	v7 =	vld [tilespmem:s16+$0x5100]  }
0xbc: {  	v12 =	vld [tilespmem:s16+$0x5110]  }
0xbd: {  	v6 =	vld [tilespmem:s16+$0x5120]  }
0xbe: {  	v5 =	vld [tilespmem:s16+$0x5130]  }
0xbf: {  	v4 =	vld [tilespmem:s16+$0x5140]  }
0xc0: {  	v3 =	vld [tilespmem:s16+$0x5150]  }
0xc1: {  	v2 =	vld [tilespmem:s16+$0x5160]  }
0xc2: {  	v1 =	vld [tilespmem:s16+$0x5170]  }
0xc3: {  	v13 =	vld [tilespmem:s16+$0x8D00]  }
0xc4: {  	v14 =	vld [tilespmem:s16+$0x8D10]  }
0xc5: {  	v11 =	vld [tilespmem:s16+$0x8D20]  }
0xc6: {  	v10 =	vld [tilespmem:s16+$0x8D30]  }
0xc7: {  	v9 =	vld [tilespmem:s16+$0x8D40]  }
0xc8: {  	v8 =	vld [tilespmem:s16+$0x8D50];
	v13 =	vadd.f32 v7, v13  }
0xc9: {  	s22 =	simm.s32 $0x200;
	v12 =	vadd.f32 v12, v14;
	v7 =	vld [tilespmem:s16+$0x8D60]  }
.LBB2_11:
0xca: {  	s19 =	sshra.s32 s22, $0x2;
	p1 =	sne.s32 s22, $0x4E00;
	v13 =	vmax.f32 v13, $0.0e+00;
	v6 =	vadd.f32 v6, v11;
	v11 =	vld [tilespmem:s16+$0x8D70]  }
0xcb: {  	v14 =	vld [tilespmem:s19+$0x5100];
	[tilespmem:s16+$0x8D00] =	vst v13;
	v12 =	vmax.f32 v12, $0.0e+00;
	v5 =	vadd.f32 v5, v10  }
0xcc: {  	v15 =	vld [tilespmem:s19+$0x5110];
	[tilespmem:s16+$0x8D10] =	vst v12;
	v10 =	vmax.f32 v6, $0.0e+00;
	v4 =	vadd.f32 v4, v9  }
0xcd: {  	v6 =	vld [tilespmem:s19+$0x5120];
	[tilespmem:s16+$0x8D20] =	vst v10;
	v9 =	vmax.f32 v5, $0.0e+00;
	v3 =	vadd.f32 v3, v8  }
0xce: {  	v5 =	vld [tilespmem:s19+$0x5130];
	[tilespmem:s16+$0x8D30] =	vst v9;
	v8 =	vmax.f32 v4, $0.0e+00;
	v2 =	vadd.f32 v2, v7  }
0xcf: {  	v4 =	vld [tilespmem:s19+$0x5140];
	[tilespmem:s16+$0x8D40] =	vst v8;
	v7 =	vmax.f32 v3, $0.0e+00;
	v1 =	vadd.f32 v1, v11  }
0xd0: {  	v3 =	vld [tilespmem:s19+$0x5150];
	[tilespmem:s16+$0x8D50] =	vst v7;
	v7 =	vmax.f32 v2, $0.0e+00  }
0xd1: {  	v2 =	vld [tilespmem:s19+$0x5160];
	[tilespmem:s16+$0x8D60] =	vst v7;
	v7 =	vmax.f32 v1, $0.0e+00  }
0xd2: {  	v1 =	vld [tilespmem:s19+$0x5170];
	[tilespmem:s16+$0x8D70] =	vst v7;
	s16 =	smov.u32 s19  }
0xd3: {  	v7 =	vld [tilespmem:s16+$0x8D00]  }
0xd4: {  	v12 =	vld [tilespmem:s16+$0x8D10]  }
.Ltmp5:
0xd5: {  	v11 =	vld [tilespmem:s16+$0x8D20];
	(pc) =	sbr.rel @p1 .LBB2_11-.Ltmp5, $4  }
0xd6: {  	v10 =	vld [tilespmem:s16+$0x8D30]  }
0xd7: {  	v9 =	vld [tilespmem:s16+$0x8D40]  }
0xd8: {  	v13 =	vadd.f32 v14, v7;
	v8 =	vld [tilespmem:s16+$0x8D50]  }
0xd9: {  	s22 =	sadd.s32 $0x200, s22;
	v12 =	vadd.f32 v15, v12;
	v7 =	vld [tilespmem:s16+$0x8D60]  }
0xda: {  	v13 =	vmax.f32 v13, $0.0e+00;
	v6 =	vadd.f32 v6, v11;
	v63 =	vld [tilespmem:s16+$0x8D70]  }
0xdb: {  	[tilespmem:s16+$0x8D00] =	vst v13;
	v12 =	vmax.f32 v12, $0.0e+00;
	v5 =	vadd.f32 v5, v10  }
0xdc: {  	[tilespmem:s16+$0x8D10] =	vst v12;
	v6 =	vmax.f32 v6, $0.0e+00;
	v4 =	vadd.f32 v4, v9  }
0xdd: {  	[tilespmem:s16+$0x8D20] =	vst v6;
	v5 =	vmax.f32 v5, $0.0e+00;
	v3 =	vadd.f32 v3, v8  }
0xde: {  	[tilespmem:s16+$0x8D30] =	vst v5;
	v4 =	vmax.f32 v4, $0.0e+00;
	v2 =	vadd.f32 v2, v7  }
0xdf: {  	[tilespmem:s16+$0x8D40] =	vst v4;
	v3 =	vmax.f32 v3, $0.0e+00;
	v1 =	vadd.f32 v1, v63  }
0xe0: {  	s15 =	sadd.s32 $0x1, s15;
	[tilespmem:s16+$0x8D50] =	vst v3;
	v2 =	vmax.f32 v2, $0.0e+00  }
0xe1: {  	p1 =	sne.s32 s15, $0x53;
	[tilespmem:s16+$0x8D60] =	vst v2;
	v1 =	vmax.f32 v1, $0.0e+00  }
.Ltmp6:
0xe2: {  	[tilespmem:s16+$0x8D70] =	vst v1;
	(pc) =	sbr.rel @p1 .LBB2_6-.Ltmp6, $4  }
0xe3: {  	_ =	swait.ge [sflag:s14], $0x28  }
0xe4: {  	[sflag:s14] =	ssyncset.done $0x0  }
0xe5: {  	[sflag:s14] =	ssyncadd.s32 $0xFFFFFFD8  }
0xe6: {  	[spmem:s2] =	stream.indirect.scatter.add.f32 [tilespmem:s30], [sflag:$0xC], $0x80, s31, s20, $0xb8;
	[tilespmem:$0x1D980] =	vst v63  }
0xe7: {  	s10 =	simm.s32 $0xB  }
0xe8: {  	_ =	swait.ge [sflag:s10], $0x1400  }
0xe9: {  	[sflag:s10] =	ssyncset.done $0x0  }
0xea: {  	[sflag:s10] =	ssyncadd.s32 $0xFFFFEC00  }
0xeb: {  	_ =	swait.ge [sflag:s25], $0x1400  }
0xec: {  	[sflag:s25] =	ssyncset.done $0x0  }
0xed: {  	[sflag:s25] =	ssyncadd.s32 $0xFFFFEC00  }
0xee: {  	_ =	swait.ge [sflag:s26], $0x1400  }
0xef: {  	[sflag:s26] =	ssyncset.done $0x0  }
0xf0: {  	s10 =	simm.s32 $0x0;
	[sflag:s26] =	ssyncadd.s32 $0xFFFFEC00  }
0xf1: {  	v7 =	vld [tilespmem:s10+$0x2900]  }
0xf2: {  	v12 =	vld [tilespmem:s10+$0x2910]  }
0xf3: {  	v6 =	vld [tilespmem:s10+$0x2920]  }
0xf4: {  	v5 =	vld [tilespmem:s10+$0x2930]  }
0xf5: {  	v4 =	vld [tilespmem:s10+$0x2940]  }
0xf6: {  	v3 =	vld [tilespmem:s10+$0x2950]  }
0xf7: {  	v2 =	vld [tilespmem:s10+$0x2960]  }
0xf8: {  	v1 =	vld [tilespmem:s10+$0x2970]  }
0xf9: {  	v13 =	vld [tilespmem:s10+$0x6500]  }
0xfa: {  	v14 =	vld [tilespmem:s10+$0x6510]  }
0xfb: {  	v11 =	vld [tilespmem:s10+$0x6520]  }
0xfc: {  	v10 =	vld [tilespmem:s10+$0x6530]  }
0xfd: {  	v9 =	vld [tilespmem:s10+$0x6540]  }
0xfe: {  	v8 =	vld [tilespmem:s10+$0x6550];
	v13 =	vadd.f32 v7, v13  }
0xff: {  	s15 =	simm.s32 $0x200;
	v12 =	vadd.f32 v12, v14;
	v7 =	vld [tilespmem:s10+$0x6560]  }
.LBB2_14:
0x100: {  	s16 =	sshra.s32 s15, $0x2;
	p1 =	sne.s32 s15, $0x4E00;
	v13 =	vmax.f32 v13, $0.0e+00;
	v6 =	vadd.f32 v6, v11;
	v11 =	vld [tilespmem:s10+$0x6570]  }
0x101: {  	v14 =	vld [tilespmem:s16+$0x2900];
	[tilespmem:s10+$0x6500] =	vst v13;
	v12 =	vmax.f32 v12, $0.0e+00;
	v5 =	vadd.f32 v5, v10  }
0x102: {  	v15 =	vld [tilespmem:s16+$0x2910];
	[tilespmem:s10+$0x6510] =	vst v12;
	v10 =	vmax.f32 v6, $0.0e+00;
	v4 =	vadd.f32 v4, v9  }
0x103: {  	v6 =	vld [tilespmem:s16+$0x2920];
	[tilespmem:s10+$0x6520] =	vst v10;
	v9 =	vmax.f32 v5, $0.0e+00;
	v3 =	vadd.f32 v3, v8  }
0x104: {  	v5 =	vld [tilespmem:s16+$0x2930];
	[tilespmem:s10+$0x6530] =	vst v9;
	v8 =	vmax.f32 v4, $0.0e+00;
	v2 =	vadd.f32 v2, v7  }
0x105: {  	v4 =	vld [tilespmem:s16+$0x2940];
	[tilespmem:s10+$0x6540] =	vst v8;
	v7 =	vmax.f32 v3, $0.0e+00;
	v1 =	vadd.f32 v1, v11  }
0x106: {  	v3 =	vld [tilespmem:s16+$0x2950];
	[tilespmem:s10+$0x6550] =	vst v7;
	v7 =	vmax.f32 v2, $0.0e+00  }
0x107: {  	v2 =	vld [tilespmem:s16+$0x2960];
	[tilespmem:s10+$0x6560] =	vst v7;
	v7 =	vmax.f32 v1, $0.0e+00  }
0x108: {  	v1 =	vld [tilespmem:s16+$0x2970];
	[tilespmem:s10+$0x6570] =	vst v7;
	s10 =	smov.u32 s16  }
0x109: {  	v7 =	vld [tilespmem:s10+$0x6500]  }
0x10a: {  	v12 =	vld [tilespmem:s10+$0x6510]  }
.Ltmp7:
0x10b: {  	v11 =	vld [tilespmem:s10+$0x6520];
	(pc) =	sbr.rel @p1 .LBB2_14-.Ltmp7, $4  }
0x10c: {  	v10 =	vld [tilespmem:s10+$0x6530]  }
0x10d: {  	v9 =	vld [tilespmem:s10+$0x6540]  }
0x10e: {  	v13 =	vadd.f32 v14, v7;
	v8 =	vld [tilespmem:s10+$0x6550]  }
0x10f: {  	s15 =	sadd.s32 $0x200, s15;
	v12 =	vadd.f32 v15, v12;
	v7 =	vld [tilespmem:s10+$0x6560]  }
0x110: {  	v13 =	vmax.f32 v13, $0.0e+00;
	v6 =	vadd.f32 v6, v11;
	v63 =	vld [tilespmem:s10+$0x6570]  }
0x111: {  	[tilespmem:s10+$0x6500] =	vst v13;
	v12 =	vmax.f32 v12, $0.0e+00;
	v5 =	vadd.f32 v5, v10  }
0x112: {  	[tilespmem:s10+$0x6510] =	vst v12;
	v6 =	vmax.f32 v6, $0.0e+00;
	v4 =	vadd.f32 v4, v9  }
0x113: {  	[tilespmem:s10+$0x6520] =	vst v6;
	v5 =	vmax.f32 v5, $0.0e+00;
	v3 =	vadd.f32 v3, v8  }
0x114: {  	[tilespmem:s10+$0x6530] =	vst v5;
	v4 =	vmax.f32 v4, $0.0e+00;
	v2 =	vadd.f32 v2, v7  }
0x115: {  	[tilespmem:s10+$0x6540] =	vst v4;
	v3 =	vmax.f32 v3, $0.0e+00;
	v1 =	vadd.f32 v1, v63  }
0x116: {  	[tilespmem:s10+$0x6550] =	vst v3;
	v2 =	vmax.f32 v2, $0.0e+00  }
0x117: {  	[tilespmem:s10+$0x6560] =	vst v2;
	v1 =	vmax.f32 v1, $0.0e+00  }
0x118: {  	[tilespmem:s10+$0x6570] =	vst v1  }
0x119: {  	_ =	swait.ge [sflag:s28], $0x28  }
0x11a: {  	[sflag:s28] =	ssyncset.done $0x0  }
0x11b: {  	s22 =	simm.s32 $0xC;
	[sflag:s28] =	ssyncadd.s32 $0xFFFFFFD8  }
0x11c: {  	[spmem:s2] =	stream.indirect.scatter.add.f32 [tilespmem:s18], [sflag:$0xA], $0x80, s21, s20, $0xb8;
	[tilespmem:$0x1D980] =	vst v63  }
0x11d: {  	_ =	swait.ge [sflag:s22], $0x1400  }
0x11e: {  	[sflag:s22] =	ssyncset.done $0x0  }
0x11f: {  	[sflag:s22] =	ssyncadd.s32 $0xFFFFEC00  }
0x120: {  	_ =	swait.ge [sflag:s9], $0x1400  }
0x121: {  	[sflag:s9] =	ssyncset.done $0x0  }
0x122: {  	[sflag:s9] =	ssyncadd.s32 $0xFFFFEC00  }
0x123: {  	[bflag:$0x0] =	sbarrier.arrive $0xFFFF  }
0x124: {  	s29 =	rddreg [dreg:$0x8]  }
0x125: {  	[tilespmem:s18], [sflag:$0xD] =	stream.linear.gather [spmem:s29], $0x1400, $0x38;
	[tilespmem:$0x1D980] =	vst v63  }
0x126: {  	_ =	swait.ge [sflag:s17], $0x1400  }
0x127: {  	s15 =	rddreg [dreg:$0x9]  }
0x128: {  	[sflag:s17] =	ssyncset.done $0x0;
	s23 =	sshrl.u32 s15, $0x3  }
.Ltmp8:
0x129: {  	[sflag:s17] =	ssyncadd.s32 $0xFFFFEC00;
	s10 =	sadd.s32 s8, s23;
	(pc) =	sbr.rel @!p0 .LBB2_17-.Ltmp8, $4  }
0x12a: {  	[hbm4b:s10+s3] =	stream.linear.scatter [tilespmem:s18], [sflag:$0xD], $0x1400, $0x38;
	[tilespmem:$0x1D980] =	vst v63  }
0x12b: {  	_ =	swait.ge [sflag:s17], $0x1400  }
0x12c: {  	s23 =	rddreg [dreg:$0x3]  }
0x12d: {  	s16 =	smov.u32 s29;
	[sflag:s17] =	ssyncset.done $0x0;
	s10 =	sadd.s32 $0xFFFFFFFF, s23  }
.LBB2_16:
0x12e: {  	[sflag:s17] =	ssyncadd.s32 $0xFFFFEC00;
	s15 =	sadd.s32 $0x1400, s15;
	s16 =	sadd.s32 $0x1400, s16  }
0x12f: {  	[tilespmem:s18], [sflag:$0xD] =	stream.linear.gather [spmem:s16], $0x1400, $0x38;
	[tilespmem:$0x1D980] =	vst v63  }
0x130: {  	p0 =	sne.s32 s10, $0x1;
	s10 =	sadd.s32 $0xFFFFFFFF, s10;
	_ =	swait.ge [sflag:s17], $0x1400  }
.Ltmp9:
0x131: {  	s19 =	sshrl.u32 s15, $0x3;
	[sflag:s17] =	ssyncset.done $0x0;
	(pc) =	sbr.rel @p0 .LBB2_16-.Ltmp9, $4  }
0x132: {  	s19 =	sadd.s32 s8, s19;
	[sflag:s17] =	ssyncadd.s32 $0xFFFFEC00  }
0x133: {  	[hbm4b:s19+s3] =	stream.linear.scatter [tilespmem:s18], [sflag:$0xD], $0x1400, $0x38;
	[tilespmem:$0x1D980] =	vst v63  }
0x134: {  	_ =	swait.ge [sflag:s17], $0x1400  }
0x135: {  	[sflag:s17] =	ssyncset.done $0x0  }
.LBB2_17:
0x136: {  	s15 =	rddreg [dreg:$0xa]  }
0x137: {  	s10 =	rddreg [dreg:$0x7];
	s15 =	sadd.s32 $0x1, s15  }
0x138: {  	p0 =	sne.s32 s15, s10  }
.Ltmp10:
0x139: {  	_ = 	snop;
	(pc) =	sbr.rel @p0 .LBB2_1-.Ltmp10, $2  }
0x13a: {  	_ =	sdelay $0x2  }
0x13b: {  	[sflag:s17] =	ssyncadd.s32 $0xFFFFEC00  }
0x13c: {  	_ =	sfence.sel $0x180000  }
0x13d: {  	[bflag:$0x0] =	sbarrier.arrive $0xFFFF  }
0x13e: {  	_ =	strace $0x90000047  }
0x13f: {  	s0 =	stileid.u32;
	[bflag:$0x2] =	sbarrier.arrive $0xFFFF  }
0x140: {  	p0 =	sne.s32 s0, $0x0;
	s0 =	rddreg [dreg:$0x2]  }
0x141: {  	s0 =	sadd.s32 @!p0 $0x100000, s0  }
0x142: {  	[sflag:s0] =	ssyncadd.tile.s32 @!p0 $0x1;
	_ =	shalt  }
.Lfunc_end2:
_tile_overlayer_lowered:
.L_overlay_start_2:
0x143: {  	(tag) =	ssettag $0x2  }
0x144: {  	s0 =	rddreg [dreg:$0x0];
	s2 =	stileid.u32  }
0x145: {  	s1 =	rddreg [dreg:$0x1];
	p0 =	sne.s32 s2, $0x0  }
0x146: {  	s3 =	rddreg [dreg:$0x2];
	[bflag:$0x3] =	sbarrier.arrive $0xFFFF;
	s2 =	simm.s32 @!p0 $0x1C0D  }
0x147: {  	[timem:s3], [sflag:s2] =	dma.local @!p0 [hbm:s0], s1  }
0x148: {  	s0 =	simm.s32 @!p0 $0xD  }
0x149: {  	_ =	swait.ge @!p0 [sflag:s0], s1  }
0x14a: {  	s1 =	ssub.s32 @!p0 $0x0, s1;
	[sflag:s0] =	ssyncset.done @!p0 $0x0  }
0x14b: {  	[sflag:s0] =	ssyncadd.s32 @!p0 s1  }
0x14c: {  	[bflag:$0x3] =	sbarrier.arrive $0xFFFF  }
0x14d: {  	_ =	shalt  }

</sc_bundles>
